<compile_context>
chip_gen: v7x
topology: tpu7x:2x2x1
jax: 0.10.2.dev20260603
libtpu: 0.0.44.dev20260713+nightly
codegen_flags: <defaults>
</compile_context>

<pallas_src>
import functools

import jax
import jax.numpy as jnp
from jax import lax
from jax.experimental import pallas as pl
from jax.experimental.pallas import tpu as pltpu
from jax.experimental.pallas import tpu_sc as plsc

_BM = 1024
_BK = 1024
_LANES = 128

_NC = 2
_NS = 16
_NW = _NC * _NS

_IMAX = 2**31 - 1


def _argmin_body(z_ref, w_ref, idx_ref, dsum_ref,
                 w2_ref, wsq_ref, r_ref, l_ref):
    i = pl.program_id(0)
    K = w_ref.shape[0]
    Dd = w_ref.shape[1]
    nk = K // _BK
    tpc = _BK // _LANES

    @pl.when(i == 0)
    def _():
        ones = jnp.ones((1, Dd), jnp.float32)
        for j in range(nk):
            w = w_ref[j * _BK:(j + 1) * _BK, :]
            w2_ref[j * _BK:(j + 1) * _BK, :] = w + w
            wsq_ref[:, j * _BK:(j + 1) * _BK] = lax.dot_general(
                ones, w * w, (((1,), (1,)), ((), ())),
                preferred_element_type=jnp.float32)

    z = z_ref[...]
    zsq = jnp.sum(z ** 2, axis=1, keepdims=True)

    r_ref[...] = jnp.full((_BM, _LANES), jnp.inf, jnp.float32)
    l_ref[...] = jnp.zeros((_BM, _LANES), jnp.int32)

    for j in range(nk):
        w2 = w2_ref[j * _BK:(j + 1) * _BK, :]
        s2 = lax.dot_general(z, w2, (((1,), (1,)), ((), ())),
                             preferred_element_type=jnp.float32)
        d = (zsq - s2) + wsq_ref[:, j * _BK:(j + 1) * _BK]
        r = r_ref[...]
        l = l_ref[...]
        for t in range(tpc):
            dt = d[:, t * _LANES:(t + 1) * _LANES]
            better = dt < r
            r = jnp.where(better, dt, r)
            l = jnp.where(better, jnp.int32(j * tpc + t), l)
        r_ref[...] = r
        l_ref[...] = l

    rv = r_ref[...]
    g = jnp.min(rv, axis=1, keepdims=True)
    kk = l_ref[...] * _LANES + lax.broadcasted_iota(jnp.int32,
                                                    (_BM, _LANES), 1)
    kstar = jnp.min(jnp.where(rv == g, kk, jnp.int32(_IMAX)), axis=1,
                    keepdims=True)
    idx_ref[...] = kstar
    part = jnp.sum(g).reshape(1, 1)

    @pl.when(i == 0)
    def _():
        dsum_ref[...] = part

    @pl.when(i > 0)
    def _():
        dsum_ref[...] = dsum_ref[...] + part


def _argmin_call(z_e, W):
    B, Dd = z_e.shape
    K = W.shape[0]
    grid = (B // _BM,)
    return pl.pallas_call(
        _argmin_body,
        grid=grid,
        in_specs=[
            pl.BlockSpec((_BM, Dd), lambda i: (i, 0)),
            pl.BlockSpec((K, Dd), lambda i: (0, 0)),
        ],
        out_specs=[
            pl.BlockSpec((_BM, 1), lambda i: (i, 0)),
            pl.BlockSpec((1, 1), lambda i: (0, 0)),
        ],
        out_shape=[
            jax.ShapeDtypeStruct((B, 1), jnp.int32),
            jax.ShapeDtypeStruct((1, 1), jnp.float32),
        ],
        scratch_shapes=[
            pltpu.VMEM((K, Dd), jnp.float32),
            pltpu.VMEM((1, K), jnp.float32),
            pltpu.VMEM((_BM, _LANES), jnp.float32),
            pltpu.VMEM((_BM, _LANES), jnp.int32),
        ],
    )(z_e, W)


def _make_gather(B, Dd):
    b_per_w = B // _NW
    ch = 128
    nch = b_per_w // ch
    mesh = plsc.VectorSubcoreMesh(core_axis_name="c", subcore_axis_name="s",
                                  num_cores=_NC, num_subcores=_NS)

    @functools.partial(
        pl.kernel,
        out_type=jax.ShapeDtypeStruct((B, Dd), jnp.float32),
        mesh=mesh,
        scratch_types=[
            pltpu.VMEM((b_per_w,), jnp.int32),
            pltpu.VMEM((ch, Dd), jnp.float32),
            pltpu.VMEM((ch, Dd), jnp.float32),
            pltpu.SemaphoreType.DMA,
            pltpu.SemaphoreType.DMA,
        ],
    )
    def gather(w_hbm, idx_hbm, out_hbm, idx_v, rows0, rows1, sem0, sem1):
        wid = lax.axis_index("s") * _NC + lax.axis_index("c")
        base = wid * b_per_w
        pltpu.sync_copy(idx_hbm.at[pl.ds(base, b_per_w)], idx_v)
        rows = (rows0, rows1)
        sems = (sem0, sem1)
        cps = [None, None]
        cps[0] = pltpu.async_copy(
            w_hbm.at[idx_v.at[pl.ds(0, ch)]], rows0, sem0)
        for c in range(nch):
            if c + 1 < nch:
                nb = (c + 1) % 2
                cps[nb] = pltpu.async_copy(
                    w_hbm.at[idx_v.at[pl.ds((c + 1) * ch, ch)]],
                    rows[nb], sems[nb])
            cps[c % 2].wait()
            pltpu.sync_copy(rows[c % 2],
                            out_hbm.at[pl.ds(base + c * ch, ch)])

    return gather


def kernel(z_e, W):
    B, Dd = z_e.shape
    idx2d, dsum = _argmin_call(z_e, W)
    indices = idx2d.reshape(B)

    z_q = _make_gather(B, Dd)(W, indices)

    loss = dsum[0, 0] / jnp.float32(B * Dd)
    return (z_q, loss, loss, indices)

# --- scband reference (transcript-rebuilt; emitter-appended) ---
"""Pipeline reference for scband-vector-quantizer-9912784519235 (READ-ONLY COPY).

The authoritative reference and input builder live on the scoring server;
editing this copy changes nothing except your own understanding.
"""

import jax, jax.numpy as jnp
import numpy as np

NUM_EMBEDDINGS = 8192
LATENT_DIM = 256
B = 16384

def setup_inputs(seed: int = 0) -> dict:
    key = jax.random.key(seed)
    k1, k2 = jax.random.split(key)
    z_e = jax.random.normal(k1, (B, LATENT_DIM), dtype=jnp.float32)
    bound = 1.0 / NUM_EMBEDDINGS
    W = jax.random.uniform(k2, (NUM_EMBEDDINGS, LATENT_DIM), dtype=jnp.float32, minval=-bound, maxval=bound)
    return {"z_e": z_e, "W": W}

def reference(z_e, W):
    # distances[b, k] = ||z_e[b]||^2 - 2 z_e[b].W[k] + ||W[k]||^2
    distances = jnp.sum(z_e ** 2, axis=1, keepdims=True) - 2.0 * (z_e @ W.T) + jnp.sum(W ** 2, axis=1)
    indices = jnp.argmin(distances, axis=1)
    z_q = jnp.take(W, indices, axis=0)
    codebook_loss = jnp.mean((z_q - jax.lax.stop_gradient(z_e)) ** 2)
    commitment_loss = jnp.mean((z_e - jax.lax.stop_gradient(z_q)) ** 2)
    z_q_st = z_e + jax.lax.stop_gradient(z_q - z_e)
    return (z_q_st, codebook_loss, commitment_loss, indices)

if __name__ == "__main__":
    import jax
    _d = setup_inputs()
    print(jax.jit(kernel)(*tuple(_d.values())))

</pallas_src>

<mosaic_0001>
#map = affine_map<(d0, d1) -> (0, 0)>
#map1 = affine_map<(d0, d1) -> (0)>
module attributes {stable_mosaic.version = 14 : i64} {
  func.func @gather(%arg0: i32, %arg1: i32, %arg2: memref<8192x256xf32, #tpu.memory_space<hbm>>, %arg3: memref<16384xi32, #tpu.memory_space<hbm>>, %arg4: memref<16384x256xf32, #tpu.memory_space<hbm>>, %arg5: memref<512xi32, #tpu.memory_space<vmem>>, %arg6: memref<128x256xf32, #tpu.memory_space<vmem>>, %arg7: memref<128x256xf32, #tpu.memory_space<vmem>>, %arg8: memref<!tpu.dma_semaphore, #tpu.memory_space<semaphore_mem>>, %arg9: memref<!tpu.dma_semaphore, #tpu.memory_space<semaphore_mem>>) attributes {dimension_semantics = [#tpu.dimension_semantics<core_parallel>, #tpu.dimension_semantics<subcore_parallel>], iteration_bounds = array<i64: 2, 16>, scalar_prefetch = 0 : i64, scratch_operands = 5 : i64, tpu.core_type = #tpu.core_type<sc_vector_subcore>, window_params = [{transform_indices = #map}, {transform_indices = #map1}, {transform_indices = #map}]} {
    %mul3A = arith.constant 2 : i32
    %mul3A_0 = arith.muli %arg1, %mul3A : i32
    %add3A = arith.addi %mul3A_0, %arg0 : i32
    %mul3A_1 = arith.constant 512 : i32
    %mul3A_2 = arith.muli %add3A, %mul3A_1 : i32
    "tpu.region"() ({
      %run_scoped3A = tpu.sem_alloc : memref<!tpu.dma_semaphore, #tpu.memory_space<semaphore_mem>>
      %dma_start3A_49 = tpu.memref_slice %arg3[%mul3A_2] : memref<16384xi32, #tpu.memory_space<hbm>> -> memref<512xi32, #tpu.memory_space<hbm>>
      %dma_start3A_50 = tpu.memref_slice %arg3[%mul3A_2] : memref<16384xi32, #tpu.memory_space<hbm>> -> memref<512xi32, #tpu.memory_space<hbm>>
      tpu.enqueue_dma source(%dma_start3A_50 : memref<512xi32, #tpu.memory_space<hbm>>) target(%arg5 : memref<512xi32, #tpu.memory_space<vmem>>) target_semaphore(%run_scoped3A : memref<!tpu.dma_semaphore, #tpu.memory_space<semaphore_mem>>)
      %dma_wait3A_51 = tpu.memref_slice %arg3[%mul3A_2] : memref<16384xi32, #tpu.memory_space<hbm>> -> memref<512xi32, #tpu.memory_space<hbm>>
      %dma_wait3A_52 = tpu.memref_slice %arg3[%mul3A_2] : memref<16384xi32, #tpu.memory_space<hbm>> -> memref<512xi32, #tpu.memory_space<hbm>>
      tpu.wait_dma2 semaphore(%run_scoped3A : memref<!tpu.dma_semaphore, #tpu.memory_space<semaphore_mem>>) src(%dma_wait3A_52 : memref<512xi32, #tpu.memory_space<hbm>>) dst(%arg5 : memref<512xi32, #tpu.memory_space<vmem>>)
      tpu.yield
    }) : () -> ()
    %dma_start3A = arith.constant 0 : i32
    %dma_start3A_3 = tpu.memref_slice %arg5[%dma_start3A] : memref<512xi32, #tpu.memory_space<vmem>> -> memref<128xi32, #tpu.memory_space<vmem>>
    %dma_start3A_4 = arith.constant 0 : i32
    %dma_start3A_5 = arith.constant 0 : i32
    %dma_start3A_6 = tpu.memref_slice %arg2[%dma_start3A_4, %dma_start3A_5] : memref<8192x256xf32, #tpu.memory_space<hbm>> -> memref<8192x256xf32, #tpu.memory_space<hbm>>
    tpu.enqueue_indirect_dma source(%dma_start3A_6 : memref<8192x256xf32, #tpu.memory_space<hbm>>) target(%arg6 : memref<128x256xf32, #tpu.memory_space<vmem>>) offsets(%dma_start3A_3 : memref<128xi32, #tpu.memory_space<vmem>>) semaphore(%arg8 : memref<!tpu.dma_semaphore, #tpu.memory_space<semaphore_mem>>)
    %dma_start3A_7 = arith.constant 128 : i32
    %dma_start3A_8 = tpu.memref_slice %arg5[%dma_start3A_7] : memref<512xi32, #tpu.memory_space<vmem>> -> memref<128xi32, #tpu.memory_space<vmem>>
    %dma_start3A_9 = arith.constant 0 : i32
    %dma_start3A_10 = arith.constant 0 : i32
    %dma_start3A_11 = tpu.memref_slice %arg2[%dma_start3A_9, %dma_start3A_10] : memref<8192x256xf32, #tpu.memory_space<hbm>> -> memref<8192x256xf32, #tpu.memory_space<hbm>>
    tpu.enqueue_indirect_dma source(%dma_start3A_11 : memref<8192x256xf32, #tpu.memory_space<hbm>>) target(%arg7 : memref<128x256xf32, #tpu.memory_space<vmem>>) offsets(%dma_start3A_8 : memref<128xi32, #tpu.memory_space<vmem>>) semaphore(%arg9 : memref<!tpu.dma_semaphore, #tpu.memory_space<semaphore_mem>>)
    %dma_wait3A = arith.constant 0 : i32
    %dma_wait3A_12 = tpu.memref_slice %arg5[%dma_wait3A] : memref<512xi32, #tpu.memory_space<vmem>> -> memref<128xi32, #tpu.memory_space<vmem>>
    %dma_wait3A_13 = arith.constant 0 : i32
    %dma_wait3A_14 = arith.constant 0 : i32
    %dma_wait3A_15 = tpu.memref_slice %arg2[%dma_wait3A_13, %dma_wait3A_14] : memref<8192x256xf32, #tpu.memory_space<hbm>> -> memref<8192x256xf32, #tpu.memory_space<hbm>>
    tpu.wait_indirect_dma semaphore(%arg8 : memref<!tpu.dma_semaphore, #tpu.memory_space<semaphore_mem>>) src(%dma_wait3A_15 : memref<8192x256xf32, #tpu.memory_space<hbm>>) dst(%arg6 : memref<128x256xf32, #tpu.memory_space<vmem>>)
    %add3A_16 = arith.constant 0 : i32
    %add3A_17 = arith.addi %mul3A_2, %add3A_16 : i32
    "tpu.region"() ({
      %run_scoped3A = tpu.sem_alloc : memref<!tpu.dma_semaphore, #tpu.memory_space<semaphore_mem>>
      %dma_start3A_49 = arith.constant 0 : i32
      %dma_start3A_50 = tpu.memref_slice %arg4[%add3A_17, %dma_start3A_49] : memref<16384x256xf32, #tpu.memory_space<hbm>> -> memref<128x256xf32, #tpu.memory_space<hbm>>
      %dma_start3A_51 = arith.constant 0 : i32
      %dma_start3A_52 = tpu.memref_slice %arg4[%add3A_17, %dma_start3A_51] : memref<16384x256xf32, #tpu.memory_space<hbm>> -> memref<128x256xf32, #tpu.memory_space<hbm>>
      tpu.enqueue_dma source(%arg6 : memref<128x256xf32, #tpu.memory_space<vmem>>) target(%dma_start3A_52 : memref<128x256xf32, #tpu.memory_space<hbm>>) target_semaphore(%run_scoped3A : memref<!tpu.dma_semaphore, #tpu.memory_space<semaphore_mem>>)
      %dma_wait3A_53 = arith.constant 0 : i32
      %dma_wait3A_54 = tpu.memref_slice %arg4[%add3A_17, %dma_wait3A_53] : memref<16384x256xf32, #tpu.memory_space<hbm>> -> memref<128x256xf32, #tpu.memory_space<hbm>>
      %dma_wait3A_55 = arith.constant 0 : i32
      %dma_wait3A_56 = tpu.memref_slice %arg4[%add3A_17, %dma_wait3A_55] : memref<16384x256xf32, #tpu.memory_space<hbm>> -> memref<128x256xf32, #tpu.memory_space<hbm>>
      tpu.wait_dma2 semaphore(%run_scoped3A : memref<!tpu.dma_semaphore, #tpu.memory_space<semaphore_mem>>) src(%arg6 : memref<128x256xf32, #tpu.memory_space<vmem>>) dst(%dma_wait3A_56 : memref<128x256xf32, #tpu.memory_space<hbm>>)
      tpu.yield
    }) : () -> ()
    %dma_start3A_18 = arith.constant 256 : i32
    %dma_start3A_19 = tpu.memref_slice %arg5[%dma_start3A_18] : memref<512xi32, #tpu.memory_space<vmem>> -> memref<128xi32, #tpu.memory_space<vmem>>
    %dma_start3A_20 = arith.constant 0 : i32
    %dma_start3A_21 = arith.constant 0 : i32
    %dma_start3A_22 = tpu.memref_slice %arg2[%dma_start3A_20, %dma_start3A_21] : memref<8192x256xf32, #tpu.memory_space<hbm>> -> memref<8192x256xf32, #tpu.memory_space<hbm>>
    tpu.enqueue_indirect_dma source(%dma_start3A_22 : memref<8192x256xf32, #tpu.memory_space<hbm>>) target(%arg6 : memref<128x256xf32, #tpu.memory_space<vmem>>) offsets(%dma_start3A_19 : memref<128xi32, #tpu.memory_space<vmem>>) semaphore(%arg8 : memref<!tpu.dma_semaphore, #tpu.memory_space<semaphore_mem>>)
    %dma_wait3A_23 = arith.constant 128 : i32
    %dma_wait3A_24 = tpu.memref_slice %arg5[%dma_wait3A_23] : memref<512xi32, #tpu.memory_space<vmem>> -> memref<128xi32, #tpu.memory_space<vmem>>
    %dma_wait3A_25 = arith.constant 0 : i32
    %dma_wait3A_26 = arith.constant 0 : i32
    %dma_wait3A_27 = tpu.memref_slice %arg2[%dma_wait3A_25, %dma_wait3A_26] : memref<8192x256xf32, #tpu.memory_space<hbm>> -> memref<8192x256xf32, #tpu.memory_space<hbm>>
    tpu.wait_indirect_dma semaphore(%arg9 : memref<!tpu.dma_semaphore, #tpu.memory_space<semaphore_mem>>) src(%dma_wait3A_27 : memref<8192x256xf32, #tpu.memory_space<hbm>>) dst(%arg7 : memref<128x256xf32, #tpu.memory_space<vmem>>)
    %add3A_28 = arith.constant 128 : i32
    %add3A_29 = arith.addi %mul3A_2, %add3A_28 : i32
    "tpu.region"() ({
      %run_scoped3A = tpu.sem_alloc : memref<!tpu.dma_semaphore, #tpu.memory_space<semaphore_mem>>
      %dma_start3A_49 = arith.constant 0 : i32
      %dma_start3A_50 = tpu.memref_slice %arg4[%add3A_29, %dma_start3A_49] : memref<16384x256xf32, #tpu.memory_space<hbm>> -> memref<128x256xf32, #tpu.memory_space<hbm>>
      %dma_start3A_51 = arith.constant 0 : i32
      %dma_start3A_52 = tpu.memref_slice %arg4[%add3A_29, %dma_start3A_51] : memref<16384x256xf32, #tpu.memory_space<hbm>> -> memref<128x256xf32, #tpu.memory_space<hbm>>
      tpu.enqueue_dma source(%arg7 : memref<128x256xf32, #tpu.memory_space<vmem>>) target(%dma_start3A_52 : memref<128x256xf32, #tpu.memory_space<hbm>>) target_semaphore(%run_scoped3A : memref<!tpu.dma_semaphore, #tpu.memory_space<semaphore_mem>>)
      %dma_wait3A_53 = arith.constant 0 : i32
      %dma_wait3A_54 = tpu.memref_slice %arg4[%add3A_29, %dma_wait3A_53] : memref<16384x256xf32, #tpu.memory_space<hbm>> -> memref<128x256xf32, #tpu.memory_space<hbm>>
      %dma_wait3A_55 = arith.constant 0 : i32
      %dma_wait3A_56 = tpu.memref_slice %arg4[%add3A_29, %dma_wait3A_55] : memref<16384x256xf32, #tpu.memory_space<hbm>> -> memref<128x256xf32, #tpu.memory_space<hbm>>
      tpu.wait_dma2 semaphore(%run_scoped3A : memref<!tpu.dma_semaphore, #tpu.memory_space<semaphore_mem>>) src(%arg7 : memref<128x256xf32, #tpu.memory_space<vmem>>) dst(%dma_wait3A_56 : memref<128x256xf32, #tpu.memory_space<hbm>>)
      tpu.yield
    }) : () -> ()
    %dma_start3A_30 = arith.constant 384 : i32
    %dma_start3A_31 = tpu.memref_slice %arg5[%dma_start3A_30] : memref<512xi32, #tpu.memory_space<vmem>> -> memref<128xi32, #tpu.memory_space<vmem>>
    %dma_start3A_32 = arith.constant 0 : i32
    %dma_start3A_33 = arith.constant 0 : i32
    %dma_start3A_34 = tpu.memref_slice %arg2[%dma_start3A_32, %dma_start3A_33] : memref<8192x256xf32, #tpu.memory_space<hbm>> -> memref<8192x256xf32, #tpu.memory_space<hbm>>
    tpu.enqueue_indirect_dma source(%dma_start3A_34 : memref<8192x256xf32, #tpu.memory_space<hbm>>) target(%arg7 : memref<128x256xf32, #tpu.memory_space<vmem>>) offsets(%dma_start3A_31 : memref<128xi32, #tpu.memory_space<vmem>>) semaphore(%arg9 : memref<!tpu.dma_semaphore, #tpu.memory_space<semaphore_mem>>)
    %dma_wait3A_35 = arith.constant 256 : i32
    %dma_wait3A_36 = tpu.memref_slice %arg5[%dma_wait3A_35] : memref<512xi32, #tpu.memory_space<vmem>> -> memref<128xi32, #tpu.memory_space<vmem>>
    %dma_wait3A_37 = arith.constant 0 : i32
    %dma_wait3A_38 = arith.constant 0 : i32
    %dma_wait3A_39 = tpu.memref_slice %arg2[%dma_wait3A_37, %dma_wait3A_38] : memref<8192x256xf32, #tpu.memory_space<hbm>> -> memref<8192x256xf32, #tpu.memory_space<hbm>>
    tpu.wait_indirect_dma semaphore(%arg8 : memref<!tpu.dma_semaphore, #tpu.memory_space<semaphore_mem>>) src(%dma_wait3A_39 : memref<8192x256xf32, #tpu.memory_space<hbm>>) dst(%arg6 : memref<128x256xf32, #tpu.memory_space<vmem>>)
    %add3A_40 = arith.constant 256 : i32
    %add3A_41 = arith.addi %mul3A_2, %add3A_40 : i32
    "tpu.region"() ({
      %run_scoped3A = tpu.sem_alloc : memref<!tpu.dma_semaphore, #tpu.memory_space<semaphore_mem>>
      %dma_start3A_49 = arith.constant 0 : i32
      %dma_start3A_50 = tpu.memref_slice %arg4[%add3A_41, %dma_start3A_49] : memref<16384x256xf32, #tpu.memory_space<hbm>> -> memref<128x256xf32, #tpu.memory_space<hbm>>
      %dma_start3A_51 = arith.constant 0 : i32
      %dma_start3A_52 = tpu.memref_slice %arg4[%add3A_41, %dma_start3A_51] : memref<16384x256xf32, #tpu.memory_space<hbm>> -> memref<128x256xf32, #tpu.memory_space<hbm>>
      tpu.enqueue_dma source(%arg6 : memref<128x256xf32, #tpu.memory_space<vmem>>) target(%dma_start3A_52 : memref<128x256xf32, #tpu.memory_space<hbm>>) target_semaphore(%run_scoped3A : memref<!tpu.dma_semaphore, #tpu.memory_space<semaphore_mem>>)
      %dma_wait3A_53 = arith.constant 0 : i32
      %dma_wait3A_54 = tpu.memref_slice %arg4[%add3A_41, %dma_wait3A_53] : memref<16384x256xf32, #tpu.memory_space<hbm>> -> memref<128x256xf32, #tpu.memory_space<hbm>>
      %dma_wait3A_55 = arith.constant 0 : i32
      %dma_wait3A_56 = tpu.memref_slice %arg4[%add3A_41, %dma_wait3A_55] : memref<16384x256xf32, #tpu.memory_space<hbm>> -> memref<128x256xf32, #tpu.memory_space<hbm>>
      tpu.wait_dma2 semaphore(%run_scoped3A : memref<!tpu.dma_semaphore, #tpu.memory_space<semaphore_mem>>) src(%arg6 : memref<128x256xf32, #tpu.memory_space<vmem>>) dst(%dma_wait3A_56 : memref<128x256xf32, #tpu.memory_space<hbm>>)
      tpu.yield
    }) : () -> ()
    %dma_wait3A_42 = arith.constant 384 : i32
    %dma_wait3A_43 = tpu.memref_slice %arg5[%dma_wait3A_42] : memref<512xi32, #tpu.memory_space<vmem>> -> memref<128xi32, #tpu.memory_space<vmem>>
    %dma_wait3A_44 = arith.constant 0 : i32
    %dma_wait3A_45 = arith.constant 0 : i32
    %dma_wait3A_46 = tpu.memref_slice %arg2[%dma_wait3A_44, %dma_wait3A_45] : memref<8192x256xf32, #tpu.memory_space<hbm>> -> memref<8192x256xf32, #tpu.memory_space<hbm>>
    tpu.wait_indirect_dma semaphore(%arg9 : memref<!tpu.dma_semaphore, #tpu.memory_space<semaphore_mem>>) src(%dma_wait3A_46 : memref<8192x256xf32, #tpu.memory_space<hbm>>) dst(%arg7 : memref<128x256xf32, #tpu.memory_space<vmem>>)
    %add3A_47 = arith.constant 384 : i32
    %add3A_48 = arith.addi %mul3A_2, %add3A_47 : i32
    "tpu.region"() ({
      %run_scoped3A = tpu.sem_alloc : memref<!tpu.dma_semaphore, #tpu.memory_space<semaphore_mem>>
      %dma_start3A_49 = arith.constant 0 : i32
      %dma_start3A_50 = tpu.memref_slice %arg4[%add3A_48, %dma_start3A_49] : memref<16384x256xf32, #tpu.memory_space<hbm>> -> memref<128x256xf32, #tpu.memory_space<hbm>>
      %dma_start3A_51 = arith.constant 0 : i32
      %dma_start3A_52 = tpu.memref_slice %arg4[%add3A_48, %dma_start3A_51] : memref<16384x256xf32, #tpu.memory_space<hbm>> -> memref<128x256xf32, #tpu.memory_space<hbm>>
      tpu.enqueue_dma source(%arg7 : memref<128x256xf32, #tpu.memory_space<vmem>>) target(%dma_start3A_52 : memref<128x256xf32, #tpu.memory_space<hbm>>) target_semaphore(%run_scoped3A : memref<!tpu.dma_semaphore, #tpu.memory_space<semaphore_mem>>)
      %dma_wait3A_53 = arith.constant 0 : i32
      %dma_wait3A_54 = tpu.memref_slice %arg4[%add3A_48, %dma_wait3A_53] : memref<16384x256xf32, #tpu.memory_space<hbm>> -> memref<128x256xf32, #tpu.memory_space<hbm>>
      %dma_wait3A_55 = arith.constant 0 : i32
      %dma_wait3A_56 = tpu.memref_slice %arg4[%add3A_48, %dma_wait3A_55] : memref<16384x256xf32, #tpu.memory_space<hbm>> -> memref<128x256xf32, #tpu.memory_space<hbm>>
      tpu.wait_dma2 semaphore(%run_scoped3A : memref<!tpu.dma_semaphore, #tpu.memory_space<semaphore_mem>>) src(%arg7 : memref<128x256xf32, #tpu.memory_space<vmem>>) dst(%dma_wait3A_56 : memref<128x256xf32, #tpu.memory_space<hbm>>)
      tpu.yield
    }) : () -> ()
    return
  }
}

module attributes {stable_mosaic.version = 14 : i64} {
  func.func @_argmin_body(%arg0: i32, %arg1: memref<1024x256xf32, #tpu.memory_space<vmem>>, %arg2: memref<8192x256xf32, #tpu.memory_space<vmem>>, %arg3: memref<1024x1xi32, #tpu.memory_space<vmem>>, %arg4: memref<1x1xf32, #tpu.memory_space<vmem>>, %arg5: memref<8192x256xf32, #tpu.memory_space<vmem>>, %arg6: memref<1x8192xf32, #tpu.memory_space<vmem>>, %arg7: memref<1024x128xf32, #tpu.memory_space<vmem>>, %arg8: memref<1024x128xi32, #tpu.memory_space<vmem>>) attributes {dimension_semantics = [#tpu.dimension_semantics<arbitrary>], iteration_bounds = array<i64: 16>, scalar_prefetch = 0 : i64, scratch_operands = 4 : i64, tpu.core_type = #tpu.core_type<tc>, window_params = [{transform_indices = @transform_0, window_bounds = array<i64: 1024, 256>}, {pipeline_mode = #tpu.pipeline_mode<synchronous>, transform_indices = @transform_1, window_bounds = array<i64: 8192, 256>}, {transform_indices = @transform_2, window_bounds = array<i64: 1024, 1>}, {pipeline_mode = #tpu.pipeline_mode<synchronous>, transform_indices = @transform_3, window_bounds = array<i64: 1, 1>}]} {
    %eq3A = arith.constant 0 : i32
    %eq3A_0 = arith.cmpi eq, %arg0, %eq3A : i32
    %convert_element_type3A = arith.extui %eq3A_0 : i1 to i32
    %cond3A = arith.constant 0 : i32
    %cond3A_1 = arith.cmpi ne, %convert_element_type3A, %cond3A : i32
    scf.if %cond3A_1 {
      %broadcast_in_dim3A_619 = arith.constant 1.000000e+00 : f32
      %broadcast_in_dim3A_620 = vector.broadcast %broadcast_in_dim3A_619 : f32 to vector<1x256xf32>
      %get3A_621 = arith.constant 0 : index
      %get3A_622 = arith.constant 0 : index
      %get3A_623 = vector.load %arg2[%get3A_621, %get3A_622] : memref<8192x256xf32, #tpu.memory_space<vmem>>, vector<1024x256xf32>
      %add3A_624 = arith.addf %get3A_623, %get3A_623 : vector<1024x256xf32>
      %swap3A_625 = arith.constant 0 : index
      %swap3A_626 = arith.constant 0 : index
      %swap3A_627 = vector.load %arg5[%swap3A_625, %swap3A_626] : memref<8192x256xf32, #tpu.memory_space<vmem>>, vector<1024x256xf32>
      tpu.vector_store %arg5[%swap3A_625, %swap3A_626], %add3A_624 {strides = array<i32>} : memref<8192x256xf32, #tpu.memory_space<vmem>>, vector<1024x256xf32>,
      %mul3A_628 = arith.mulf %get3A_623, %get3A_623 : vector<1024x256xf32>
      %dot_general3A_629 = arith.constant dense<0.000000e+00> : vector<1x1024xf32>
      %dot_general3A_630 = tpu.matmul %broadcast_in_dim3A_620, %mul3A_628, %dot_general3A_629 {dimension_numbers = #tpu.dot_dimension_numbers<[1], [1], [0], [0], [0, 0, 1, 0], [], []>, transpose_lhs_hint = false} : vector<1x256xf32>, vector<1024x256xf32>, vector<1x1024xf32> -> vector<1x1024xf32>
      %swap3A_631 = arith.constant 0 : index
      %swap3A_632 = arith.constant 0 : index
      %swap3A_633 = vector.load %arg6[%swap3A_631, %swap3A_632] : memref<1x8192xf32, #tpu.memory_space<vmem>>, vector<1x1024xf32>
      tpu.vector_store %arg6[%swap3A_631, %swap3A_632], %dot_general3A_630 {strides = array<i32>} : memref<1x8192xf32, #tpu.memory_space<vmem>>, vector<1x1024xf32>,
      %get3A_634 = arith.constant 1024 : index
      %get3A_635 = arith.constant 0 : index
      %get3A_636 = vector.load %arg2[%get3A_634, %get3A_635] : memref<8192x256xf32, #tpu.memory_space<vmem>>, vector<1024x256xf32>
      %add3A_637 = arith.addf %get3A_636, %get3A_636 : vector<1024x256xf32>
      %swap3A_638 = arith.constant 1024 : index
      %swap3A_639 = arith.constant 0 : index
      %swap3A_640 = vector.load %arg5[%swap3A_638, %swap3A_639] : memref<8192x256xf32, #tpu.memory_space<vmem>>, vector<1024x256xf32>
      tpu.vector_store %arg5[%swap3A_638, %swap3A_639], %add3A_637 {strides = array<i32>} : memref<8192x256xf32, #tpu.memory_space<vmem>>, vector<1024x256xf32>,
      %mul3A_641 = arith.mulf %get3A_636, %get3A_636 : vector<1024x256xf32>
      %dot_general3A_642 = arith.constant dense<0.000000e+00> : vector<1x1024xf32>
      %dot_general3A_643 = tpu.matmul %broadcast_in_dim3A_620, %mul3A_641, %dot_general3A_642 {dimension_numbers = #tpu.dot_dimension_numbers<[1], [1], [0], [0], [0, 0, 1, 0], [], []>, transpose_lhs_hint = false} : vector<1x256xf32>, vector<1024x256xf32>, vector<1x1024xf32> -> vector<1x1024xf32>
      %swap3A_644 = arith.constant 0 : index
      %swap3A_645 = arith.constant 1024 : index
      %swap3A_646 = vector.load %arg6[%swap3A_644, %swap3A_645] : memref<1x8192xf32, #tpu.memory_space<vmem>>, vector<1x1024xf32>
      tpu.vector_store %arg6[%swap3A_644, %swap3A_645], %dot_general3A_643 {strides = array<i32>} : memref<1x8192xf32, #tpu.memory_space<vmem>>, vector<1x1024xf32>,
      %get3A_647 = arith.constant 2048 : index
      %get3A_648 = arith.constant 0 : index
      %get3A_649 = vector.load %arg2[%get3A_647, %get3A_648] : memref<8192x256xf32, #tpu.memory_space<vmem>>, vector<1024x256xf32>
      %add3A_650 = arith.addf %get3A_649, %get3A_649 : vector<1024x256xf32>
      %swap3A_651 = arith.constant 2048 : index
      %swap3A_652 = arith.constant 0 : index
      %swap3A_653 = vector.load %arg5[%swap3A_651, %swap3A_652] : memref<8192x256xf32, #tpu.memory_space<vmem>>, vector<1024x256xf32>
      tpu.vector_store %arg5[%swap3A_651, %swap3A_652], %add3A_650 {strides = array<i32>} : memref<8192x256xf32, #tpu.memory_space<vmem>>, vector<1024x256xf32>,
      %mul3A_654 = arith.mulf %get3A_649, %get3A_649 : vector<1024x256xf32>
      %dot_general3A_655 = arith.constant dense<0.000000e+00> : vector<1x1024xf32>
      %dot_general3A_656 = tpu.matmul %broadcast_in_dim3A_620, %mul3A_654, %dot_general3A_655 {dimension_numbers = #tpu.dot_dimension_numbers<[1], [1], [0], [0], [0, 0, 1, 0], [], []>, transpose_lhs_hint = false} : vector<1x256xf32>, vector<1024x256xf32>, vector<1x1024xf32> -> vector<1x1024xf32>
      %swap3A_657 = arith.constant 0 : index
      %swap3A_658 = arith.constant 2048 : index
      %swap3A_659 = vector.load %arg6[%swap3A_657, %swap3A_658] : memref<1x8192xf32, #tpu.memory_space<vmem>>, vector<1x1024xf32>
      tpu.vector_store %arg6[%swap3A_657, %swap3A_658], %dot_general3A_656 {strides = array<i32>} : memref<1x8192xf32, #tpu.memory_space<vmem>>, vector<1x1024xf32>,
      %get3A_660 = arith.constant 3072 : index
      %get3A_661 = arith.constant 0 : index
      %get3A_662 = vector.load %arg2[%get3A_660, %get3A_661] : memref<8192x256xf32, #tpu.memory_space<vmem>>, vector<1024x256xf32>
      %add3A_663 = arith.addf %get3A_662, %get3A_662 : vector<1024x256xf32>
      %swap3A_664 = arith.constant 3072 : index
      %swap3A_665 = arith.constant 0 : index
      %swap3A_666 = vector.load %arg5[%swap3A_664, %swap3A_665] : memref<8192x256xf32, #tpu.memory_space<vmem>>, vector<1024x256xf32>
      tpu.vector_store %arg5[%swap3A_664, %swap3A_665], %add3A_663 {strides = array<i32>} : memref<8192x256xf32, #tpu.memory_space<vmem>>, vector<1024x256xf32>,
      %mul3A_667 = arith.mulf %get3A_662, %get3A_662 : vector<1024x256xf32>
      %dot_general3A_668 = arith.constant dense<0.000000e+00> : vector<1x1024xf32>
      %dot_general3A_669 = tpu.matmul %broadcast_in_dim3A_620, %mul3A_667, %dot_general3A_668 {dimension_numbers = #tpu.dot_dimension_numbers<[1], [1], [0], [0], [0, 0, 1, 0], [], []>, transpose_lhs_hint = false} : vector<1x256xf32>, vector<1024x256xf32>, vector<1x1024xf32> -> vector<1x1024xf32>
      %swap3A_670 = arith.constant 0 : index
      %swap3A_671 = arith.constant 3072 : index
      %swap3A_672 = vector.load %arg6[%swap3A_670, %swap3A_671] : memref<1x8192xf32, #tpu.memory_space<vmem>>, vector<1x1024xf32>
      tpu.vector_store %arg6[%swap3A_670, %swap3A_671], %dot_general3A_669 {strides = array<i32>} : memref<1x8192xf32, #tpu.memory_space<vmem>>, vector<1x1024xf32>,
      %get3A_673 = arith.constant 4096 : index
      %get3A_674 = arith.constant 0 : index
      %get3A_675 = vector.load %arg2[%get3A_673, %get3A_674] : memref<8192x256xf32, #tpu.memory_space<vmem>>, vector<1024x256xf32>
      %add3A_676 = arith.addf %get3A_675, %get3A_675 : vector<1024x256xf32>
      %swap3A_677 = arith.constant 4096 : index
      %swap3A_678 = arith.constant 0 : index
      %swap3A_679 = vector.load %arg5[%swap3A_677, %swap3A_678] : memref<8192x256xf32, #tpu.memory_space<vmem>>, vector<1024x256xf32>
      tpu.vector_store %arg5[%swap3A_677, %swap3A_678], %add3A_676 {strides = array<i32>} : memref<8192x256xf32, #tpu.memory_space<vmem>>, vector<1024x256xf32>,
      %mul3A_680 = arith.mulf %get3A_675, %get3A_675 : vector<1024x256xf32>
      %dot_general3A_681 = arith.constant dense<0.000000e+00> : vector<1x1024xf32>
      %dot_general3A_682 = tpu.matmul %broadcast_in_dim3A_620, %mul3A_680, %dot_general3A_681 {dimension_numbers = #tpu.dot_dimension_numbers<[1], [1], [0], [0], [0, 0, 1, 0], [], []>, transpose_lhs_hint = false} : vector<1x256xf32>, vector<1024x256xf32>, vector<1x1024xf32> -> vector<1x1024xf32>
      %swap3A_683 = arith.constant 0 : index
      %swap3A_684 = arith.constant 4096 : index
      %swap3A_685 = vector.load %arg6[%swap3A_683, %swap3A_684] : memref<1x8192xf32, #tpu.memory_space<vmem>>, vector<1x1024xf32>
      tpu.vector_store %arg6[%swap3A_683, %swap3A_684], %dot_general3A_682 {strides = array<i32>} : memref<1x8192xf32, #tpu.memory_space<vmem>>, vector<1x1024xf32>,
      %get3A_686 = arith.constant 5120 : index
      %get3A_687 = arith.constant 0 : index
      %get3A_688 = vector.load %arg2[%get3A_686, %get3A_687] : memref<8192x256xf32, #tpu.memory_space<vmem>>, vector<1024x256xf32>
      %add3A_689 = arith.addf %get3A_688, %get3A_688 : vector<1024x256xf32>
      %swap3A_690 = arith.constant 5120 : index
      %swap3A_691 = arith.constant 0 : index
      %swap3A_692 = vector.load %arg5[%swap3A_690, %swap3A_691] : memref<8192x256xf32, #tpu.memory_space<vmem>>, vector<1024x256xf32>
      tpu.vector_store %arg5[%swap3A_690, %swap3A_691], %add3A_689 {strides = array<i32>} : memref<8192x256xf32, #tpu.memory_space<vmem>>, vector<1024x256xf32>,
      %mul3A_693 = arith.mulf %get3A_688, %get3A_688 : vector<1024x256xf32>
      %dot_general3A_694 = arith.constant dense<0.000000e+00> : vector<1x1024xf32>
      %dot_general3A_695 = tpu.matmul %broadcast_in_dim3A_620, %mul3A_693, %dot_general3A_694 {dimension_numbers = #tpu.dot_dimension_numbers<[1], [1], [0], [0], [0, 0, 1, 0], [], []>, transpose_lhs_hint = false} : vector<1x256xf32>, vector<1024x256xf32>, vector<1x1024xf32> -> vector<1x1024xf32>
      %swap3A_696 = arith.constant 0 : index
      %swap3A_697 = arith.constant 5120 : index
      %swap3A_698 = vector.load %arg6[%swap3A_696, %swap3A_697] : memref<1x8192xf32, #tpu.memory_space<vmem>>, vector<1x1024xf32>
      tpu.vector_store %arg6[%swap3A_696, %swap3A_697], %dot_general3A_695 {strides = array<i32>} : memref<1x8192xf32, #tpu.memory_space<vmem>>, vector<1x1024xf32>,
      %get3A_699 = arith.constant 6144 : index
      %get3A_700 = arith.constant 0 : index
      %get3A_701 = vector.load %arg2[%get3A_699, %get3A_700] : memref<8192x256xf32, #tpu.memory_space<vmem>>, vector<1024x256xf32>
      %add3A_702 = arith.addf %get3A_701, %get3A_701 : vector<1024x256xf32>
      %swap3A_703 = arith.constant 6144 : index
      %swap3A_704 = arith.constant 0 : index
      %swap3A_705 = vector.load %arg5[%swap3A_703, %swap3A_704] : memref<8192x256xf32, #tpu.memory_space<vmem>>, vector<1024x256xf32>
      tpu.vector_store %arg5[%swap3A_703, %swap3A_704], %add3A_702 {strides = array<i32>} : memref<8192x256xf32, #tpu.memory_space<vmem>>, vector<1024x256xf32>,
      %mul3A_706 = arith.mulf %get3A_701, %get3A_701 : vector<1024x256xf32>
      %dot_general3A_707 = arith.constant dense<0.000000e+00> : vector<1x1024xf32>
      %dot_general3A_708 = tpu.matmul %broadcast_in_dim3A_620, %mul3A_706, %dot_general3A_707 {dimension_numbers = #tpu.dot_dimension_numbers<[1], [1], [0], [0], [0, 0, 1, 0], [], []>, transpose_lhs_hint = false} : vector<1x256xf32>, vector<1024x256xf32>, vector<1x1024xf32> -> vector<1x1024xf32>
      %swap3A_709 = arith.constant 0 : index
      %swap3A_710 = arith.constant 6144 : index
      %swap3A_711 = vector.load %arg6[%swap3A_709, %swap3A_710] : memref<1x8192xf32, #tpu.memory_space<vmem>>, vector<1x1024xf32>
      tpu.vector_store %arg6[%swap3A_709, %swap3A_710], %dot_general3A_708 {strides = array<i32>} : memref<1x8192xf32, #tpu.memory_space<vmem>>, vector<1x1024xf32>,
      %get3A_712 = arith.constant 7168 : index
      %get3A_713 = arith.constant 0 : index
      %get3A_714 = vector.load %arg2[%get3A_712, %get3A_713] : memref<8192x256xf32, #tpu.memory_space<vmem>>, vector<1024x256xf32>
      %add3A_715 = arith.addf %get3A_714, %get3A_714 : vector<1024x256xf32>
      %swap3A_716 = arith.constant 7168 : index
      %swap3A_717 = arith.constant 0 : index
      %swap3A_718 = vector.load %arg5[%swap3A_716, %swap3A_717] : memref<8192x256xf32, #tpu.memory_space<vmem>>, vector<1024x256xf32>
      tpu.vector_store %arg5[%swap3A_716, %swap3A_717], %add3A_715 {strides = array<i32>} : memref<8192x256xf32, #tpu.memory_space<vmem>>, vector<1024x256xf32>,
      %mul3A_719 = arith.mulf %get3A_714, %get3A_714 : vector<1024x256xf32>
      %dot_general3A_720 = arith.constant dense<0.000000e+00> : vector<1x1024xf32>
      %dot_general3A_721 = tpu.matmul %broadcast_in_dim3A_620, %mul3A_719, %dot_general3A_720 {dimension_numbers = #tpu.dot_dimension_numbers<[1], [1], [0], [0], [0, 0, 1, 0], [], []>, transpose_lhs_hint = false} : vector<1x256xf32>, vector<1024x256xf32>, vector<1x1024xf32> -> vector<1x1024xf32>
      %swap3A_722 = arith.constant 0 : index
      %swap3A_723 = arith.constant 7168 : index
      %swap3A_724 = vector.load %arg6[%swap3A_722, %swap3A_723] : memref<1x8192xf32, #tpu.memory_space<vmem>>, vector<1x1024xf32>
      tpu.vector_store %arg6[%swap3A_722, %swap3A_723], %dot_general3A_721 {strides = array<i32>} : memref<1x8192xf32, #tpu.memory_space<vmem>>, vector<1x1024xf32>,
    } else {
    }
    %get3A = arith.constant 0 : index
    %get3A_2 = arith.constant 0 : index
    %get3A_3 = vector.load %arg1[%get3A, %get3A_2] : memref<1024x256xf32, #tpu.memory_space<vmem>>, vector<1024x256xf32>
    %integer_pow3A = arith.mulf %get3A_3, %get3A_3 : vector<1024x256xf32>
    %reduce_sum3A = arith.constant dense<0.000000e+00> : vector<1024xf32>
    %reduce_sum3A_4 = vector.multi_reduction <add>, %integer_pow3A, %reduce_sum3A [1] : vector<1024x256xf32> to vector<1024xf32>
    %broadcast_in_dim3A = vector.shape_cast %reduce_sum3A_4 : vector<1024xf32> to vector<1024x1xf32>
    %broadcast_in_dim3A_5 = arith.constant 0x7F800000 : f32
    %broadcast_in_dim3A_6 = vector.broadcast %broadcast_in_dim3A_5 : f32 to vector<1024x128xf32>
    %swap3A = arith.constant 0 : index
    %swap3A_7 = arith.constant 0 : index
    %swap3A_8 = vector.load %arg7[%swap3A, %swap3A_7] : memref<1024x128xf32, #tpu.memory_space<vmem>>, vector<1024x128xf32>
    tpu.vector_store %arg7[%swap3A, %swap3A_7], %broadcast_in_dim3A_6 {strides = array<i32>} : memref<1024x128xf32, #tpu.memory_space<vmem>>, vector<1024x128xf32>,
    %broadcast_in_dim3A_9 = arith.constant 0 : i32
    %broadcast_in_dim3A_10 = vector.broadcast %broadcast_in_dim3A_9 : i32 to vector<1024x128xi32>
    %swap3A_11 = arith.constant 0 : index
    %swap3A_12 = arith.constant 0 : index
    %swap3A_13 = vector.load %arg8[%swap3A_11, %swap3A_12] : memref<1024x128xi32, #tpu.memory_space<vmem>>, vector<1024x128xi32>
    tpu.vector_store %arg8[%swap3A_11, %swap3A_12], %broadcast_in_dim3A_10 {strides = array<i32>} : memref<1024x128xi32, #tpu.memory_space<vmem>>, vector<1024x128xi32>,
    %get3A_14 = arith.constant 0 : index
    %get3A_15 = arith.constant 0 : index
    %get3A_16 = vector.load %arg5[%get3A_14, %get3A_15] : memref<8192x256xf32, #tpu.memory_space<vmem>>, vector<1024x256xf32>
    %dot_general3A = arith.constant dense<0.000000e+00> : vector<1024x1024xf32>
    %dot_general3A_17 = tpu.matmul %get3A_3, %get3A_16, %dot_general3A {dimension_numbers = #tpu.dot_dimension_numbers<[1], [1], [0], [0], [0, 0, 1, 0], [], []>, transpose_lhs_hint = false} : vector<1024x256xf32>, vector<1024x256xf32>, vector<1024x1024xf32> -> vector<1024x1024xf32>
    %sub3A = vector.broadcast %broadcast_in_dim3A : vector<1024x1xf32> to vector<1024x1024xf32>
    %sub3A_18 = arith.subf %sub3A, %dot_general3A_17 : vector<1024x1024xf32>
    %get3A_19 = arith.constant 0 : index
    %get3A_20 = arith.constant 0 : index
    %get3A_21 = vector.load %arg6[%get3A_19, %get3A_20] : memref<1x8192xf32, #tpu.memory_space<vmem>>, vector<1x1024xf32>
    %add3A = vector.broadcast %get3A_21 : vector<1x1024xf32> to vector<1024x1024xf32>
    %add3A_22 = arith.addf %sub3A_18, %add3A : vector<1024x1024xf32>
    %get3A_23 = arith.constant 0 : index
    %get3A_24 = arith.constant 0 : index
    %get3A_25 = vector.load %arg7[%get3A_23, %get3A_24] : memref<1024x128xf32, #tpu.memory_space<vmem>>, vector<1024x128xf32>
    %get3A_26 = arith.constant 0 : index
    %get3A_27 = arith.constant 0 : index
    %get3A_28 = vector.load %arg8[%get3A_26, %get3A_27] : memref<1024x128xi32, #tpu.memory_space<vmem>>, vector<1024x128xi32>
    %slice3A = vector.extract_strided_slice %add3A_22 {offsets = [0, 0], sizes = [1024, 128], strides = [1, 1]} : vector<1024x1024xf32> to vector<1024x128xf32>
    %lt3A = arith.cmpf olt, %slice3A, %get3A_25 : vector<1024x128xf32>
    %select_n3A = arith.select %lt3A, %slice3A, %get3A_25 : vector<1024x128xi1>, vector<1024x128xf32>
    %jit3A = arith.constant 0 : i32
    %broadcast_in_dim3A_29 = vector.broadcast %jit3A : i32 to vector<1024x128xi32>
    %select_n3A_30 = arith.select %lt3A, %broadcast_in_dim3A_29, %get3A_28 : vector<1024x128xi1>, vector<1024x128xi32>
    %slice3A_31 = vector.extract_strided_slice %add3A_22 {offsets = [0, 128], sizes = [1024, 128], strides = [1, 1]} : vector<1024x1024xf32> to vector<1024x128xf32>
    %lt3A_32 = arith.cmpf olt, %slice3A_31, %select_n3A : vector<1024x128xf32>
    %select_n3A_33 = arith.select %lt3A_32, %slice3A_31, %select_n3A : vector<1024x128xi1>, vector<1024x128xf32>
    %jit3A_34 = arith.constant 1 : i32
    %broadcast_in_dim3A_35 = vector.broadcast %jit3A_34 : i32 to vector<1024x128xi32>
    %select_n3A_36 = arith.select %lt3A_32, %broadcast_in_dim3A_35, %select_n3A_30 : vector<1024x128xi1>, vector<1024x128xi32>
    %slice3A_37 = vector.extract_strided_slice %add3A_22 {offsets = [0, 256], sizes = [1024, 128], strides = [1, 1]} : vector<1024x1024xf32> to vector<1024x128xf32>
    %lt3A_38 = arith.cmpf olt, %slice3A_37, %select_n3A_33 : vector<1024x128xf32>
    %select_n3A_39 = arith.select %lt3A_38, %slice3A_37, %select_n3A_33 : vector<1024x128xi1>, vector<1024x128xf32>
    %jit3A_40 = arith.constant 2 : i32
    %broadcast_in_dim3A_41 = vector.broadcast %jit3A_40 : i32 to vector<1024x128xi32>
    %select_n3A_42 = arith.select %lt3A_38, %broadcast_in_dim3A_41, %select_n3A_36 : vector<1024x128xi1>, vector<1024x128xi32>
    %slice3A_43 = vector.extract_strided_slice %add3A_22 {offsets = [0, 384], sizes = [1024, 128], strides = [1, 1]} : vector<1024x1024xf32> to vector<1024x128xf32>
    %lt3A_44 = arith.cmpf olt, %slice3A_43, %select_n3A_39 : vector<1024x128xf32>
    %select_n3A_45 = arith.select %lt3A_44, %slice3A_43, %select_n3A_39 : vector<1024x128xi1>, vector<1024x128xf32>
    %jit3A_46 = arith.constant 3 : i32
    %broadcast_in_dim3A_47 = vector.broadcast %jit3A_46 : i32 to vector<1024x128xi32>
    %select_n3A_48 = arith.select %lt3A_44, %broadcast_in_dim3A_47, %select_n3A_42 : vector<1024x128xi1>, vector<1024x128xi32>
    %slice3A_49 = vector.extract_strided_slice %add3A_22 {offsets = [0, 512], sizes = [1024, 128], strides = [1, 1]} : vector<1024x1024xf32> to vector<1024x128xf32>
    %lt3A_50 = arith.cmpf olt, %slice3A_49, %select_n3A_45 : vector<1024x128xf32>
    %select_n3A_51 = arith.select %lt3A_50, %slice3A_49, %select_n3A_45 : vector<1024x128xi1>, vector<1024x128xf32>
    %jit3A_52 = arith.constant 4 : i32
    %broadcast_in_dim3A_53 = vector.broadcast %jit3A_52 : i32 to vector<1024x128xi32>
    %select_n3A_54 = arith.select %lt3A_50, %broadcast_in_dim3A_53, %select_n3A_48 : vector<1024x128xi1>, vector<1024x128xi32>
    %slice3A_55 = vector.extract_strided_slice %add3A_22 {offsets = [0, 640], sizes = [1024, 128], strides = [1, 1]} : vector<1024x1024xf32> to vector<1024x128xf32>
    %lt3A_56 = arith.cmpf olt, %slice3A_55, %select_n3A_51 : vector<1024x128xf32>
    %select_n3A_57 = arith.select %lt3A_56, %slice3A_55, %select_n3A_51 : vector<1024x128xi1>, vector<1024x128xf32>
    %jit3A_58 = arith.constant 5 : i32
    %broadcast_in_dim3A_59 = vector.broadcast %jit3A_58 : i32 to vector<1024x128xi32>
    %select_n3A_60 = arith.select %lt3A_56, %broadcast_in_dim3A_59, %select_n3A_54 : vector<1024x128xi1>, vector<1024x128xi32>
    %slice3A_61 = vector.extract_strided_slice %add3A_22 {offsets = [0, 768], sizes = [1024, 128], strides = [1, 1]} : vector<1024x1024xf32> to vector<1024x128xf32>
    %lt3A_62 = arith.cmpf olt, %slice3A_61, %select_n3A_57 : vector<1024x128xf32>
    %select_n3A_63 = arith.select %lt3A_62, %slice3A_61, %select_n3A_57 : vector<1024x128xi1>, vector<1024x128xf32>
    %jit3A_64 = arith.constant 6 : i32
    %broadcast_in_dim3A_65 = vector.broadcast %jit3A_64 : i32 to vector<1024x128xi32>
    %select_n3A_66 = arith.select %lt3A_62, %broadcast_in_dim3A_65, %select_n3A_60 : vector<1024x128xi1>, vector<1024x128xi32>
    %slice3A_67 = vector.extract_strided_slice %add3A_22 {offsets = [0, 896], sizes = [1024, 128], strides = [1, 1]} : vector<1024x1024xf32> to vector<1024x128xf32>
    %lt3A_68 = arith.cmpf olt, %slice3A_67, %select_n3A_63 : vector<1024x128xf32>
    %select_n3A_69 = arith.select %lt3A_68, %slice3A_67, %select_n3A_63 : vector<1024x128xi1>, vector<1024x128xf32>
    %jit3A_70 = arith.constant 7 : i32
    %broadcast_in_dim3A_71 = vector.broadcast %jit3A_70 : i32 to vector<1024x128xi32>
    %select_n3A_72 = arith.select %lt3A_68, %broadcast_in_dim3A_71, %select_n3A_66 : vector<1024x128xi1>, vector<1024x128xi32>
    %swap3A_73 = arith.constant 0 : index
    %swap3A_74 = arith.constant 0 : index
    %swap3A_75 = vector.load %arg7[%swap3A_73, %swap3A_74] : memref<1024x128xf32, #tpu.memory_space<vmem>>, vector<1024x128xf32>
    tpu.vector_store %arg7[%swap3A_73, %swap3A_74], %select_n3A_69 {strides = array<i32>} : memref<1024x128xf32, #tpu.memory_space<vmem>>, vector<1024x128xf32>,
    %swap3A_76 = arith.constant 0 : index
    %swap3A_77 = arith.constant 0 : index
    %swap3A_78 = vector.load %arg8[%swap3A_76, %swap3A_77] : memref<1024x128xi32, #tpu.memory_space<vmem>>, vector<1024x128xi32>
    tpu.vector_store %arg8[%swap3A_76, %swap3A_77], %select_n3A_72 {strides = array<i32>} : memref<1024x128xi32, #tpu.memory_space<vmem>>, vector<1024x128xi32>,
    %get3A_79 = arith.constant 1024 : index
    %get3A_80 = arith.constant 0 : index
    %get3A_81 = vector.load %arg5[%get3A_79, %get3A_80] : memref<8192x256xf32, #tpu.memory_space<vmem>>, vector<1024x256xf32>
    %dot_general3A_82 = arith.constant dense<0.000000e+00> : vector<1024x1024xf32>
    %dot_general3A_83 = tpu.matmul %get3A_3, %get3A_81, %dot_general3A_82 {dimension_numbers = #tpu.dot_dimension_numbers<[1], [1], [0], [0], [0, 0, 1, 0], [], []>, transpose_lhs_hint = false} : vector<1024x256xf32>, vector<1024x256xf32>, vector<1024x1024xf32> -> vector<1024x1024xf32>
    %sub3A_84 = vector.broadcast %broadcast_in_dim3A : vector<1024x1xf32> to vector<1024x1024xf32>
    %sub3A_85 = arith.subf %sub3A_84, %dot_general3A_83 : vector<1024x1024xf32>
    %get3A_86 = arith.constant 0 : index
    %get3A_87 = arith.constant 1024 : index
    %get3A_88 = vector.load %arg6[%get3A_86, %get3A_87] : memref<1x8192xf32, #tpu.memory_space<vmem>>, vector<1x1024xf32>
    %add3A_89 = vector.broadcast %get3A_88 : vector<1x1024xf32> to vector<1024x1024xf32>
    %add3A_90 = arith.addf %sub3A_85, %add3A_89 : vector<1024x1024xf32>
    %get3A_91 = arith.constant 0 : index
    %get3A_92 = arith.constant 0 : index
    %get3A_93 = vector.load %arg7[%get3A_91, %get3A_92] : memref<1024x128xf32, #tpu.memory_space<vmem>>, vector<1024x128xf32>
    %get3A_94 = arith.constant 0 : index
    %get3A_95 = arith.constant 0 : index
    %get3A_96 = vector.load %arg8[%get3A_94, %get3A_95] : memref<1024x128xi32, #tpu.memory_space<vmem>>, vector<1024x128xi32>
    %slice3A_97 = vector.extract_strided_slice %add3A_90 {offsets = [0, 0], sizes = [1024, 128], strides = [1, 1]} : vector<1024x1024xf32> to vector<1024x128xf32>
    %lt3A_98 = arith.cmpf olt, %slice3A_97, %get3A_93 : vector<1024x128xf32>
    %select_n3A_99 = arith.select %lt3A_98, %slice3A_97, %get3A_93 : vector<1024x128xi1>, vector<1024x128xf32>
    %jit3A_100 = arith.constant 8 : i32
    %broadcast_in_dim3A_101 = vector.broadcast %jit3A_100 : i32 to vector<1024x128xi32>
    %select_n3A_102 = arith.select %lt3A_98, %broadcast_in_dim3A_101, %get3A_96 : vector<1024x128xi1>, vector<1024x128xi32>
    %slice3A_103 = vector.extract_strided_slice %add3A_90 {offsets = [0, 128], sizes = [1024, 128], strides = [1, 1]} : vector<1024x1024xf32> to vector<1024x128xf32>
    %lt3A_104 = arith.cmpf olt, %slice3A_103, %select_n3A_99 : vector<1024x128xf32>
    %select_n3A_105 = arith.select %lt3A_104, %slice3A_103, %select_n3A_99 : vector<1024x128xi1>, vector<1024x128xf32>
    %jit3A_106 = arith.constant 9 : i32
    %broadcast_in_dim3A_107 = vector.broadcast %jit3A_106 : i32 to vector<1024x128xi32>
    %select_n3A_108 = arith.select %lt3A_104, %broadcast_in_dim3A_107, %select_n3A_102 : vector<1024x128xi1>, vector<1024x128xi32>
    %slice3A_109 = vector.extract_strided_slice %add3A_90 {offsets = [0, 256], sizes = [1024, 128], strides = [1, 1]} : vector<1024x1024xf32> to vector<1024x128xf32>
    %lt3A_110 = arith.cmpf olt, %slice3A_109, %select_n3A_105 : vector<1024x128xf32>
    %select_n3A_111 = arith.select %lt3A_110, %slice3A_109, %select_n3A_105 : vector<1024x128xi1>, vector<1024x128xf32>
    %jit3A_112 = arith.constant 10 : i32
    %broadcast_in_dim3A_113 = vector.broadcast %jit3A_112 : i32 to vector<1024x128xi32>
    %select_n3A_114 = arith.select %lt3A_110, %broadcast_in_dim3A_113, %select_n3A_108 : vector<1024x128xi1>, vector<1024x128xi32>
    %slice3A_115 = vector.extract_strided_slice %add3A_90 {offsets = [0, 384], sizes = [1024, 128], strides = [1, 1]} : vector<1024x1024xf32> to vector<1024x128xf32>
    %lt3A_116 = arith.cmpf olt, %slice3A_115, %select_n3A_111 : vector<1024x128xf32>
    %select_n3A_117 = arith.select %lt3A_116, %slice3A_115, %select_n3A_111 : vector<1024x128xi1>, vector<1024x128xf32>
    %jit3A_118 = arith.constant 11 : i32
    %broadcast_in_dim3A_119 = vector.broadcast %jit3A_118 : i32 to vector<1024x128xi32>
    %select_n3A_120 = arith.select %lt3A_116, %broadcast_in_dim3A_119, %select_n3A_114 : vector<1024x128xi1>, vector<1024x128xi32>
    %slice3A_121 = vector.extract_strided_slice %add3A_90 {offsets = [0, 512], sizes = [1024, 128], strides = [1, 1]} : vector<1024x1024xf32> to vector<1024x128xf32>
    %lt3A_122 = arith.cmpf olt, %slice3A_121, %select_n3A_117 : vector<1024x128xf32>
    %select_n3A_123 = arith.select %lt3A_122, %slice3A_121, %select_n3A_117 : vector<1024x128xi1>, vector<1024x128xf32>
    %jit3A_124 = arith.constant 12 : i32
    %broadcast_in_dim3A_125 = vector.broadcast %jit3A_124 : i32 to vector<1024x128xi32>
    %select_n3A_126 = arith.select %lt3A_122, %broadcast_in_dim3A_125, %select_n3A_120 : vector<1024x128xi1>, vector<1024x128xi32>
    %slice3A_127 = vector.extract_strided_slice %add3A_90 {offsets = [0, 640], sizes = [1024, 128], strides = [1, 1]} : vector<1024x1024xf32> to vector<1024x128xf32>
    %lt3A_128 = arith.cmpf olt, %slice3A_127, %select_n3A_123 : vector<1024x128xf32>
    %select_n3A_129 = arith.select %lt3A_128, %slice3A_127, %select_n3A_123 : vector<1024x128xi1>, vector<1024x128xf32>
    %jit3A_130 = arith.constant 13 : i32
    %broadcast_in_dim3A_131 = vector.broadcast %jit3A_130 : i32 to vector<1024x128xi32>
    %select_n3A_132 = arith.select %lt3A_128, %broadcast_in_dim3A_131, %select_n3A_126 : vector<1024x128xi1>, vector<1024x128xi32>
    %slice3A_133 = vector.extract_strided_slice %add3A_90 {offsets = [0, 768], sizes = [1024, 128], strides = [1, 1]} : vector<1024x1024xf32> to vector<1024x128xf32>
    %lt3A_134 = arith.cmpf olt, %slice3A_133, %select_n3A_129 : vector<1024x128xf32>
    %select_n3A_135 = arith.select %lt3A_134, %slice3A_133, %select_n3A_129 : vector<1024x128xi1>, vector<1024x128xf32>
    %jit3A_136 = arith.constant 14 : i32
    %broadcast_in_dim3A_137 = vector.broadcast %jit3A_136 : i32 to vector<1024x128xi32>
    %select_n3A_138 = arith.select %lt3A_134, %broadcast_in_dim3A_137, %select_n3A_132 : vector<1024x128xi1>, vector<1024x128xi32>
    %slice3A_139 = vector.extract_strided_slice %add3A_90 {offsets = [0, 896], sizes = [1024, 128], strides = [1, 1]} : vector<1024x1024xf32> to vector<1024x128xf32>
    %lt3A_140 = arith.cmpf olt, %slice3A_139, %select_n3A_135 : vector<1024x128xf32>
    %select_n3A_141 = arith.select %lt3A_140, %slice3A_139, %select_n3A_135 : vector<1024x128xi1>, vector<1024x128xf32>
    %jit3A_142 = arith.constant 15 : i32
    %broadcast_in_dim3A_143 = vector.broadcast %jit3A_142 : i32 to vector<1024x128xi32>
    %select_n3A_144 = arith.select %lt3A_140, %broadcast_in_dim3A_143, %select_n3A_138 : vector<1024x128xi1>, vector<1024x128xi32>
    %swap3A_145 = arith.constant 0 : index
    %swap3A_146 = arith.constant 0 : index
    %swap3A_147 = vector.load %arg7[%swap3A_145, %swap3A_146] : memref<1024x128xf32, #tpu.memory_space<vmem>>, vector<1024x128xf32>
    tpu.vector_store %arg7[%swap3A_145, %swap3A_146], %select_n3A_141 {strides = array<i32>} : memref<1024x128xf32, #tpu.memory_space<vmem>>, vector<1024x128xf32>,
    %swap3A_148 = arith.constant 0 : index
    %swap3A_149 = arith.constant 0 : index
    %swap3A_150 = vector.load %arg8[%swap3A_148, %swap3A_149] : memref<1024x128xi32, #tpu.memory_space<vmem>>, vector<1024x128xi32>
    tpu.vector_store %arg8[%swap3A_148, %swap3A_149], %select_n3A_144 {strides = array<i32>} : memref<1024x128xi32, #tpu.memory_space<vmem>>, vector<1024x128xi32>,
    %get3A_151 = arith.constant 2048 : index
    %get3A_152 = arith.constant 0 : index
    %get3A_153 = vector.load %arg5[%get3A_151, %get3A_152] : memref<8192x256xf32, #tpu.memory_space<vmem>>, vector<1024x256xf32>
    %dot_general3A_154 = arith.constant dense<0.000000e+00> : vector<1024x1024xf32>
    %dot_general3A_155 = tpu.matmul %get3A_3, %get3A_153, %dot_general3A_154 {dimension_numbers = #tpu.dot_dimension_numbers<[1], [1], [0], [0], [0, 0, 1, 0], [], []>, transpose_lhs_hint = false} : vector<1024x256xf32>, vector<1024x256xf32>, vector<1024x1024xf32> -> vector<1024x1024xf32>
    %sub3A_156 = vector.broadcast %broadcast_in_dim3A : vector<1024x1xf32> to vector<1024x1024xf32>
    %sub3A_157 = arith.subf %sub3A_156, %dot_general3A_155 : vector<1024x1024xf32>
    %get3A_158 = arith.constant 0 : index
    %get3A_159 = arith.constant 2048 : index
    %get3A_160 = vector.load %arg6[%get3A_158, %get3A_159] : memref<1x8192xf32, #tpu.memory_space<vmem>>, vector<1x1024xf32>
    %add3A_161 = vector.broadcast %get3A_160 : vector<1x1024xf32> to vector<1024x1024xf32>
    %add3A_162 = arith.addf %sub3A_157, %add3A_161 : vector<1024x1024xf32>
    %get3A_163 = arith.constant 0 : index
    %get3A_164 = arith.constant 0 : index
    %get3A_165 = vector.load %arg7[%get3A_163, %get3A_164] : memref<1024x128xf32, #tpu.memory_space<vmem>>, vector<1024x128xf32>
    %get3A_166 = arith.constant 0 : index
    %get3A_167 = arith.constant 0 : index
    %get3A_168 = vector.load %arg8[%get3A_166, %get3A_167] : memref<1024x128xi32, #tpu.memory_space<vmem>>, vector<1024x128xi32>
    %slice3A_169 = vector.extract_strided_slice %add3A_162 {offsets = [0, 0], sizes = [1024, 128], strides = [1, 1]} : vector<1024x1024xf32> to vector<1024x128xf32>
    %lt3A_170 = arith.cmpf olt, %slice3A_169, %get3A_165 : vector<1024x128xf32>
    %select_n3A_171 = arith.select %lt3A_170, %slice3A_169, %get3A_165 : vector<1024x128xi1>, vector<1024x128xf32>
    %jit3A_172 = arith.constant 16 : i32
    %broadcast_in_dim3A_173 = vector.broadcast %jit3A_172 : i32 to vector<1024x128xi32>
    %select_n3A_174 = arith.select %lt3A_170, %broadcast_in_dim3A_173, %get3A_168 : vector<1024x128xi1>, vector<1024x128xi32>
    %slice3A_175 = vector.extract_strided_slice %add3A_162 {offsets = [0, 128], sizes = [1024, 128], strides = [1, 1]} : vector<1024x1024xf32> to vector<1024x128xf32>
    %lt3A_176 = arith.cmpf olt, %slice3A_175, %select_n3A_171 : vector<1024x128xf32>
    %select_n3A_177 = arith.select %lt3A_176, %slice3A_175, %select_n3A_171 : vector<1024x128xi1>, vector<1024x128xf32>
    %jit3A_178 = arith.constant 17 : i32
    %broadcast_in_dim3A_179 = vector.broadcast %jit3A_178 : i32 to vector<1024x128xi32>
    %select_n3A_180 = arith.select %lt3A_176, %broadcast_in_dim3A_179, %select_n3A_174 : vector<1024x128xi1>, vector<1024x128xi32>
    %slice3A_181 = vector.extract_strided_slice %add3A_162 {offsets = [0, 256], sizes = [1024, 128], strides = [1, 1]} : vector<1024x1024xf32> to vector<1024x128xf32>
    %lt3A_182 = arith.cmpf olt, %slice3A_181, %select_n3A_177 : vector<1024x128xf32>
    %select_n3A_183 = arith.select %lt3A_182, %slice3A_181, %select_n3A_177 : vector<1024x128xi1>, vector<1024x128xf32>
    %jit3A_184 = arith.constant 18 : i32
    %broadcast_in_dim3A_185 = vector.broadcast %jit3A_184 : i32 to vector<1024x128xi32>
    %select_n3A_186 = arith.select %lt3A_182, %broadcast_in_dim3A_185, %select_n3A_180 : vector<1024x128xi1>, vector<1024x128xi32>
    %slice3A_187 = vector.extract_strided_slice %add3A_162 {offsets = [0, 384], sizes = [1024, 128], strides = [1, 1]} : vector<1024x1024xf32> to vector<1024x128xf32>
    %lt3A_188 = arith.cmpf olt, %slice3A_187, %select_n3A_183 : vector<1024x128xf32>
    %select_n3A_189 = arith.select %lt3A_188, %slice3A_187, %select_n3A_183 : vector<1024x128xi1>, vector<1024x128xf32>
    %jit3A_190 = arith.constant 19 : i32
    %broadcast_in_dim3A_191 = vector.broadcast %jit3A_190 : i32 to vector<1024x128xi32>
    %select_n3A_192 = arith.select %lt3A_188, %broadcast_in_dim3A_191, %select_n3A_186 : vector<1024x128xi1>, vector<1024x128xi32>
    %slice3A_193 = vector.extract_strided_slice %add3A_162 {offsets = [0, 512], sizes = [1024, 128], strides = [1, 1]} : vector<1024x1024xf32> to vector<1024x128xf32>
    %lt3A_194 = arith.cmpf olt, %slice3A_193, %select_n3A_189 : vector<1024x128xf32>
    %select_n3A_195 = arith.select %lt3A_194, %slice3A_193, %select_n3A_189 : vector<1024x128xi1>, vector<1024x128xf32>
    %jit3A_196 = arith.constant 20 : i32
    %broadcast_in_dim3A_197 = vector.broadcast %jit3A_196 : i32 to vector<1024x128xi32>
    %select_n3A_198 = arith.select %lt3A_194, %broadcast_in_dim3A_197, %select_n3A_192 : vector<1024x128xi1>, vector<1024x128xi32>
    %slice3A_199 = vector.extract_strided_slice %add3A_162 {offsets = [0, 640], sizes = [1024, 128], strides = [1, 1]} : vector<1024x1024xf32> to vector<1024x128xf32>
    %lt3A_200 = arith.cmpf olt, %slice3A_199, %select_n3A_195 : vector<1024x128xf32>
    %select_n3A_201 = arith.select %lt3A_200, %slice3A_199, %select_n3A_195 : vector<1024x128xi1>, vector<1024x128xf32>
    %jit3A_202 = arith.constant 21 : i32
    %broadcast_in_dim3A_203 = vector.broadcast %jit3A_202 : i32 to vector<1024x128xi32>
    %select_n3A_204 = arith.select %lt3A_200, %broadcast_in_dim3A_203, %select_n3A_198 : vector<1024x128xi1>, vector<1024x128xi32>
    %slice3A_205 = vector.extract_strided_slice %add3A_162 {offsets = [0, 768], sizes = [1024, 128], strides = [1, 1]} : vector<1024x1024xf32> to vector<1024x128xf32>
    %lt3A_206 = arith.cmpf olt, %slice3A_205, %select_n3A_201 : vector<1024x128xf32>
    %select_n3A_207 = arith.select %lt3A_206, %slice3A_205, %select_n3A_201 : vector<1024x128xi1>, vector<1024x128xf32>
    %jit3A_208 = arith.constant 22 : i32
    %broadcast_in_dim3A_209 = vector.broadcast %jit3A_208 : i32 to vector<1024x128xi32>
    %select_n3A_210 = arith.select %lt3A_206, %broadcast_in_dim3A_209, %select_n3A_204 : vector<1024x128xi1>, vector<1024x128xi32>
    %slice3A_211 = vector.extract_strided_slice %add3A_162 {offsets = [0, 896], sizes = [1024, 128], strides = [1, 1]} : vector<1024x1024xf32> to vector<1024x128xf32>
    %lt3A_212 = arith.cmpf olt, %slice3A_211, %select_n3A_207 : vector<1024x128xf32>
    %select_n3A_213 = arith.select %lt3A_212, %slice3A_211, %select_n3A_207 : vector<1024x128xi1>, vector<1024x128xf32>
    %jit3A_214 = arith.constant 23 : i32
    %broadcast_in_dim3A_215 = vector.broadcast %jit3A_214 : i32 to vector<1024x128xi32>
    %select_n3A_216 = arith.select %lt3A_212, %broadcast_in_dim3A_215, %select_n3A_210 : vector<1024x128xi1>, vector<1024x128xi32>
    %swap3A_217 = arith.constant 0 : index
    %swap3A_218 = arith.constant 0 : index
    %swap3A_219 = vector.load %arg7[%swap3A_217, %swap3A_218] : memref<1024x128xf32, #tpu.memory_space<vmem>>, vector<1024x128xf32>
    tpu.vector_store %arg7[%swap3A_217, %swap3A_218], %select_n3A_213 {strides = array<i32>} : memref<1024x128xf32, #tpu.memory_space<vmem>>, vector<1024x128xf32>,
    %swap3A_220 = arith.constant 0 : index
    %swap3A_221 = arith.constant 0 : index
    %swap3A_222 = vector.load %arg8[%swap3A_220, %swap3A_221] : memref<1024x128xi32, #tpu.memory_space<vmem>>, vector<1024x128xi32>
    tpu.vector_store %arg8[%swap3A_220, %swap3A_221], %select_n3A_216 {strides = array<i32>} : memref<1024x128xi32, #tpu.memory_space<vmem>>, vector<1024x128xi32>,
    %get3A_223 = arith.constant 3072 : index
    %get3A_224 = arith.constant 0 : index
    %get3A_225 = vector.load %arg5[%get3A_223, %get3A_224] : memref<8192x256xf32, #tpu.memory_space<vmem>>, vector<1024x256xf32>
    %dot_general3A_226 = arith.constant dense<0.000000e+00> : vector<1024x1024xf32>
    %dot_general3A_227 = tpu.matmul %get3A_3, %get3A_225, %dot_general3A_226 {dimension_numbers = #tpu.dot_dimension_numbers<[1], [1], [0], [0], [0, 0, 1, 0], [], []>, transpose_lhs_hint = false} : vector<1024x256xf32>, vector<1024x256xf32>, vector<1024x1024xf32> -> vector<1024x1024xf32>
    %sub3A_228 = vector.broadcast %broadcast_in_dim3A : vector<1024x1xf32> to vector<1024x1024xf32>
    %sub3A_229 = arith.subf %sub3A_228, %dot_general3A_227 : vector<1024x1024xf32>
    %get3A_230 = arith.constant 0 : index
    %get3A_231 = arith.constant 3072 : index
    %get3A_232 = vector.load %arg6[%get3A_230, %get3A_231] : memref<1x8192xf32, #tpu.memory_space<vmem>>, vector<1x1024xf32>
    %add3A_233 = vector.broadcast %get3A_232 : vector<1x1024xf32> to vector<1024x1024xf32>
    %add3A_234 = arith.addf %sub3A_229, %add3A_233 : vector<1024x1024xf32>
    %get3A_235 = arith.constant 0 : index
    %get3A_236 = arith.constant 0 : index
    %get3A_237 = vector.load %arg7[%get3A_235, %get3A_236] : memref<1024x128xf32, #tpu.memory_space<vmem>>, vector<1024x128xf32>
    %get3A_238 = arith.constant 0 : index
    %get3A_239 = arith.constant 0 : index
    %get3A_240 = vector.load %arg8[%get3A_238, %get3A_239] : memref<1024x128xi32, #tpu.memory_space<vmem>>, vector<1024x128xi32>
    %slice3A_241 = vector.extract_strided_slice %add3A_234 {offsets = [0, 0], sizes = [1024, 128], strides = [1, 1]} : vector<1024x1024xf32> to vector<1024x128xf32>
    %lt3A_242 = arith.cmpf olt, %slice3A_241, %get3A_237 : vector<1024x128xf32>
    %select_n3A_243 = arith.select %lt3A_242, %slice3A_241, %get3A_237 : vector<1024x128xi1>, vector<1024x128xf32>
    %jit3A_244 = arith.constant 24 : i32
    %broadcast_in_dim3A_245 = vector.broadcast %jit3A_244 : i32 to vector<1024x128xi32>
    %select_n3A_246 = arith.select %lt3A_242, %broadcast_in_dim3A_245, %get3A_240 : vector<1024x128xi1>, vector<1024x128xi32>
    %slice3A_247 = vector.extract_strided_slice %add3A_234 {offsets = [0, 128], sizes = [1024, 128], strides = [1, 1]} : vector<1024x1024xf32> to vector<1024x128xf32>
    %lt3A_248 = arith.cmpf olt, %slice3A_247, %select_n3A_243 : vector<1024x128xf32>
    %select_n3A_249 = arith.select %lt3A_248, %slice3A_247, %select_n3A_243 : vector<1024x128xi1>, vector<1024x128xf32>
    %jit3A_250 = arith.constant 25 : i32
    %broadcast_in_dim3A_251 = vector.broadcast %jit3A_250 : i32 to vector<1024x128xi32>
    %select_n3A_252 = arith.select %lt3A_248, %broadcast_in_dim3A_251, %select_n3A_246 : vector<1024x128xi1>, vector<1024x128xi32>
    %slice3A_253 = vector.extract_strided_slice %add3A_234 {offsets = [0, 256], sizes = [1024, 128], strides = [1, 1]} : vector<1024x1024xf32> to vector<1024x128xf32>
    %lt3A_254 = arith.cmpf olt, %slice3A_253, %select_n3A_249 : vector<1024x128xf32>
    %select_n3A_255 = arith.select %lt3A_254, %slice3A_253, %select_n3A_249 : vector<1024x128xi1>, vector<1024x128xf32>
    %jit3A_256 = arith.constant 26 : i32
    %broadcast_in_dim3A_257 = vector.broadcast %jit3A_256 : i32 to vector<1024x128xi32>
    %select_n3A_258 = arith.select %lt3A_254, %broadcast_in_dim3A_257, %select_n3A_252 : vector<1024x128xi1>, vector<1024x128xi32>
    %slice3A_259 = vector.extract_strided_slice %add3A_234 {offsets = [0, 384], sizes = [1024, 128], strides = [1, 1]} : vector<1024x1024xf32> to vector<1024x128xf32>
    %lt3A_260 = arith.cmpf olt, %slice3A_259, %select_n3A_255 : vector<1024x128xf32>
    %select_n3A_261 = arith.select %lt3A_260, %slice3A_259, %select_n3A_255 : vector<1024x128xi1>, vector<1024x128xf32>
    %jit3A_262 = arith.constant 27 : i32
    %broadcast_in_dim3A_263 = vector.broadcast %jit3A_262 : i32 to vector<1024x128xi32>
    %select_n3A_264 = arith.select %lt3A_260, %broadcast_in_dim3A_263, %select_n3A_258 : vector<1024x128xi1>, vector<1024x128xi32>
    %slice3A_265 = vector.extract_strided_slice %add3A_234 {offsets = [0, 512], sizes = [1024, 128], strides = [1, 1]} : vector<1024x1024xf32> to vector<1024x128xf32>
    %lt3A_266 = arith.cmpf olt, %slice3A_265, %select_n3A_261 : vector<1024x128xf32>
    %select_n3A_267 = arith.select %lt3A_266, %slice3A_265, %select_n3A_261 : vector<1024x128xi1>, vector<1024x128xf32>
    %jit3A_268 = arith.constant 28 : i32
    %broadcast_in_dim3A_269 = vector.broadcast %jit3A_268 : i32 to vector<1024x128xi32>
    %select_n3A_270 = arith.select %lt3A_266, %broadcast_in_dim3A_269, %select_n3A_264 : vector<1024x128xi1>, vector<1024x128xi32>
    %slice3A_271 = vector.extract_strided_slice %add3A_234 {offsets = [0, 640], sizes = [1024, 128], strides = [1, 1]} : vector<1024x1024xf32> to vector<1024x128xf32>
    %lt3A_272 = arith.cmpf olt, %slice3A_271, %select_n3A_267 : vector<1024x128xf32>
    %select_n3A_273 = arith.select %lt3A_272, %slice3A_271, %select_n3A_267 : vector<1024x128xi1>, vector<1024x128xf32>
    %jit3A_274 = arith.constant 29 : i32
    %broadcast_in_dim3A_275 = vector.broadcast %jit3A_274 : i32 to vector<1024x128xi32>
    %select_n3A_276 = arith.select %lt3A_272, %broadcast_in_dim3A_275, %select_n3A_270 : vector<1024x128xi1>, vector<1024x128xi32>
    %slice3A_277 = vector.extract_strided_slice %add3A_234 {offsets = [0, 768], sizes = [1024, 128], strides = [1, 1]} : vector<1024x1024xf32> to vector<1024x128xf32>
    %lt3A_278 = arith.cmpf olt, %slice3A_277, %select_n3A_273 : vector<1024x128xf32>
    %select_n3A_279 = arith.select %lt3A_278, %slice3A_277, %select_n3A_273 : vector<1024x128xi1>, vector<1024x128xf32>
    %jit3A_280 = arith.constant 30 : i32
    %broadcast_in_dim3A_281 = vector.broadcast %jit3A_280 : i32 to vector<1024x128xi32>
    %select_n3A_282 = arith.select %lt3A_278, %broadcast_in_dim3A_281, %select_n3A_276 : vector<1024x128xi1>, vector<1024x128xi32>
    %slice3A_283 = vector.extract_strided_slice %add3A_234 {offsets = [0, 896], sizes = [1024, 128], strides = [1, 1]} : vector<1024x1024xf32> to vector<1024x128xf32>
    %lt3A_284 = arith.cmpf olt, %slice3A_283, %select_n3A_279 : vector<1024x128xf32>
    %select_n3A_285 = arith.select %lt3A_284, %slice3A_283, %select_n3A_279 : vector<1024x128xi1>, vector<1024x128xf32>
    %jit3A_286 = arith.constant 31 : i32
    %broadcast_in_dim3A_287 = vector.broadcast %jit3A_286 : i32 to vector<1024x128xi32>
    %select_n3A_288 = arith.select %lt3A_284, %broadcast_in_dim3A_287, %select_n3A_282 : vector<1024x128xi1>, vector<1024x128xi32>
    %swap3A_289 = arith.constant 0 : index
    %swap3A_290 = arith.constant 0 : index
    %swap3A_291 = vector.load %arg7[%swap3A_289, %swap3A_290] : memref<1024x128xf32, #tpu.memory_space<vmem>>, vector<1024x128xf32>
    tpu.vector_store %arg7[%swap3A_289, %swap3A_290], %select_n3A_285 {strides = array<i32>} : memref<1024x128xf32, #tpu.memory_space<vmem>>, vector<1024x128xf32>,
    %swap3A_292 = arith.constant 0 : index
    %swap3A_293 = arith.constant 0 : index
    %swap3A_294 = vector.load %arg8[%swap3A_292, %swap3A_293] : memref<1024x128xi32, #tpu.memory_space<vmem>>, vector<1024x128xi32>
    tpu.vector_store %arg8[%swap3A_292, %swap3A_293], %select_n3A_288 {strides = array<i32>} : memref<1024x128xi32, #tpu.memory_space<vmem>>, vector<1024x128xi32>,
    %get3A_295 = arith.constant 4096 : index
    %get3A_296 = arith.constant 0 : index
    %get3A_297 = vector.load %arg5[%get3A_295, %get3A_296] : memref<8192x256xf32, #tpu.memory_space<vmem>>, vector<1024x256xf32>
    %dot_general3A_298 = arith.constant dense<0.000000e+00> : vector<1024x1024xf32>
    %dot_general3A_299 = tpu.matmul %get3A_3, %get3A_297, %dot_general3A_298 {dimension_numbers = #tpu.dot_dimension_numbers<[1], [1], [0], [0], [0, 0, 1, 0], [], []>, transpose_lhs_hint = false} : vector<1024x256xf32>, vector<1024x256xf32>, vector<1024x1024xf32> -> vector<1024x1024xf32>
    %sub3A_300 = vector.broadcast %broadcast_in_dim3A : vector<1024x1xf32> to vector<1024x1024xf32>
    %sub3A_301 = arith.subf %sub3A_300, %dot_general3A_299 : vector<1024x1024xf32>
    %get3A_302 = arith.constant 0 : index
    %get3A_303 = arith.constant 4096 : index
    %get3A_304 = vector.load %arg6[%get3A_302, %get3A_303] : memref<1x8192xf32, #tpu.memory_space<vmem>>, vector<1x1024xf32>
    %add3A_305 = vector.broadcast %get3A_304 : vector<1x1024xf32> to vector<1024x1024xf32>
    %add3A_306 = arith.addf %sub3A_301, %add3A_305 : vector<1024x1024xf32>
    %get3A_307 = arith.constant 0 : index
    %get3A_308 = arith.constant 0 : index
    %get3A_309 = vector.load %arg7[%get3A_307, %get3A_308] : memref<1024x128xf32, #tpu.memory_space<vmem>>, vector<1024x128xf32>
    %get3A_310 = arith.constant 0 : index
    %get3A_311 = arith.constant 0 : index
    %get3A_312 = vector.load %arg8[%get3A_310, %get3A_311] : memref<1024x128xi32, #tpu.memory_space<vmem>>, vector<1024x128xi32>
    %slice3A_313 = vector.extract_strided_slice %add3A_306 {offsets = [0, 0], sizes = [1024, 128], strides = [1, 1]} : vector<1024x1024xf32> to vector<1024x128xf32>
    %lt3A_314 = arith.cmpf olt, %slice3A_313, %get3A_309 : vector<1024x128xf32>
    %select_n3A_315 = arith.select %lt3A_314, %slice3A_313, %get3A_309 : vector<1024x128xi1>, vector<1024x128xf32>
    %jit3A_316 = arith.constant 32 : i32
    %broadcast_in_dim3A_317 = vector.broadcast %jit3A_316 : i32 to vector<1024x128xi32>
    %select_n3A_318 = arith.select %lt3A_314, %broadcast_in_dim3A_317, %get3A_312 : vector<1024x128xi1>, vector<1024x128xi32>
    %slice3A_319 = vector.extract_strided_slice %add3A_306 {offsets = [0, 128], sizes = [1024, 128], strides = [1, 1]} : vector<1024x1024xf32> to vector<1024x128xf32>
    %lt3A_320 = arith.cmpf olt, %slice3A_319, %select_n3A_315 : vector<1024x128xf32>
    %select_n3A_321 = arith.select %lt3A_320, %slice3A_319, %select_n3A_315 : vector<1024x128xi1>, vector<1024x128xf32>
    %jit3A_322 = arith.constant 33 : i32
    %broadcast_in_dim3A_323 = vector.broadcast %jit3A_322 : i32 to vector<1024x128xi32>
    %select_n3A_324 = arith.select %lt3A_320, %broadcast_in_dim3A_323, %select_n3A_318 : vector<1024x128xi1>, vector<1024x128xi32>
    %slice3A_325 = vector.extract_strided_slice %add3A_306 {offsets = [0, 256], sizes = [1024, 128], strides = [1, 1]} : vector<1024x1024xf32> to vector<1024x128xf32>
    %lt3A_326 = arith.cmpf olt, %slice3A_325, %select_n3A_321 : vector<1024x128xf32>
    %select_n3A_327 = arith.select %lt3A_326, %slice3A_325, %select_n3A_321 : vector<1024x128xi1>, vector<1024x128xf32>
    %jit3A_328 = arith.constant 34 : i32
    %broadcast_in_dim3A_329 = vector.broadcast %jit3A_328 : i32 to vector<1024x128xi32>
    %select_n3A_330 = arith.select %lt3A_326, %broadcast_in_dim3A_329, %select_n3A_324 : vector<1024x128xi1>, vector<1024x128xi32>
    %slice3A_331 = vector.extract_strided_slice %add3A_306 {offsets = [0, 384], sizes = [1024, 128], strides = [1, 1]} : vector<1024x1024xf32> to vector<1024x128xf32>
    %lt3A_332 = arith.cmpf olt, %slice3A_331, %select_n3A_327 : vector<1024x128xf32>
    %select_n3A_333 = arith.select %lt3A_332, %slice3A_331, %select_n3A_327 : vector<1024x128xi1>, vector<1024x128xf32>
    %jit3A_334 = arith.constant 35 : i32
    %broadcast_in_dim3A_335 = vector.broadcast %jit3A_334 : i32 to vector<1024x128xi32>
    %select_n3A_336 = arith.select %lt3A_332, %broadcast_in_dim3A_335, %select_n3A_330 : vector<1024x128xi1>, vector<1024x128xi32>
    %slice3A_337 = vector.extract_strided_slice %add3A_306 {offsets = [0, 512], sizes = [1024, 128], strides = [1, 1]} : vector<1024x1024xf32> to vector<1024x128xf32>
    %lt3A_338 = arith.cmpf olt, %slice3A_337, %select_n3A_333 : vector<1024x128xf32>
    %select_n3A_339 = arith.select %lt3A_338, %slice3A_337, %select_n3A_333 : vector<1024x128xi1>, vector<1024x128xf32>
    %jit3A_340 = arith.constant 36 : i32
    %broadcast_in_dim3A_341 = vector.broadcast %jit3A_340 : i32 to vector<1024x128xi32>
    %select_n3A_342 = arith.select %lt3A_338, %broadcast_in_dim3A_341, %select_n3A_336 : vector<1024x128xi1>, vector<1024x128xi32>
    %slice3A_343 = vector.extract_strided_slice %add3A_306 {offsets = [0, 640], sizes = [1024, 128], strides = [1, 1]} : vector<1024x1024xf32> to vector<1024x128xf32>
    %lt3A_344 = arith.cmpf olt, %slice3A_343, %select_n3A_339 : vector<1024x128xf32>
    %select_n3A_345 = arith.select %lt3A_344, %slice3A_343, %select_n3A_339 : vector<1024x128xi1>, vector<1024x128xf32>
    %jit3A_346 = arith.constant 37 : i32
    %broadcast_in_dim3A_347 = vector.broadcast %jit3A_346 : i32 to vector<1024x128xi32>
    %select_n3A_348 = arith.select %lt3A_344, %broadcast_in_dim3A_347, %select_n3A_342 : vector<1024x128xi1>, vector<1024x128xi32>
    %slice3A_349 = vector.extract_strided_slice %add3A_306 {offsets = [0, 768], sizes = [1024, 128], strides = [1, 1]} : vector<1024x1024xf32> to vector<1024x128xf32>
    %lt3A_350 = arith.cmpf olt, %slice3A_349, %select_n3A_345 : vector<1024x128xf32>
    %select_n3A_351 = arith.select %lt3A_350, %slice3A_349, %select_n3A_345 : vector<1024x128xi1>, vector<1024x128xf32>
    %jit3A_352 = arith.constant 38 : i32
    %broadcast_in_dim3A_353 = vector.broadcast %jit3A_352 : i32 to vector<1024x128xi32>
    %select_n3A_354 = arith.select %lt3A_350, %broadcast_in_dim3A_353, %select_n3A_348 : vector<1024x128xi1>, vector<1024x128xi32>
    %slice3A_355 = vector.extract_strided_slice %add3A_306 {offsets = [0, 896], sizes = [1024, 128], strides = [1, 1]} : vector<1024x1024xf32> to vector<1024x128xf32>
    %lt3A_356 = arith.cmpf olt, %slice3A_355, %select_n3A_351 : vector<1024x128xf32>
    %select_n3A_357 = arith.select %lt3A_356, %slice3A_355, %select_n3A_351 : vector<1024x128xi1>, vector<1024x128xf32>
    %jit3A_358 = arith.constant 39 : i32
    %broadcast_in_dim3A_359 = vector.broadcast %jit3A_358 : i32 to vector<1024x128xi32>
    %select_n3A_360 = arith.select %lt3A_356, %broadcast_in_dim3A_359, %select_n3A_354 : vector<1024x128xi1>, vector<1024x128xi32>
    %swap3A_361 = arith.constant 0 : index
    %swap3A_362 = arith.constant 0 : index
    %swap3A_363 = vector.load %arg7[%swap3A_361, %swap3A_362] : memref<1024x128xf32, #tpu.memory_space<vmem>>, vector<1024x128xf32>
    tpu.vector_store %arg7[%swap3A_361, %swap3A_362], %select_n3A_357 {strides = array<i32>} : memref<1024x128xf32, #tpu.memory_space<vmem>>, vector<1024x128xf32>,
    %swap3A_364 = arith.constant 0 : index
    %swap3A_365 = arith.constant 0 : index
    %swap3A_366 = vector.load %arg8[%swap3A_364, %swap3A_365] : memref<1024x128xi32, #tpu.memory_space<vmem>>, vector<1024x128xi32>
    tpu.vector_store %arg8[%swap3A_364, %swap3A_365], %select_n3A_360 {strides = array<i32>} : memref<1024x128xi32, #tpu.memory_space<vmem>>, vector<1024x128xi32>,
    %get3A_367 = arith.constant 5120 : index
    %get3A_368 = arith.constant 0 : index
    %get3A_369 = vector.load %arg5[%get3A_367, %get3A_368] : memref<8192x256xf32, #tpu.memory_space<vmem>>, vector<1024x256xf32>
    %dot_general3A_370 = arith.constant dense<0.000000e+00> : vector<1024x1024xf32>
    %dot_general3A_371 = tpu.matmul %get3A_3, %get3A_369, %dot_general3A_370 {dimension_numbers = #tpu.dot_dimension_numbers<[1], [1], [0], [0], [0, 0, 1, 0], [], []>, transpose_lhs_hint = false} : vector<1024x256xf32>, vector<1024x256xf32>, vector<1024x1024xf32> -> vector<1024x1024xf32>
    %sub3A_372 = vector.broadcast %broadcast_in_dim3A : vector<1024x1xf32> to vector<1024x1024xf32>
    %sub3A_373 = arith.subf %sub3A_372, %dot_general3A_371 : vector<1024x1024xf32>
    %get3A_374 = arith.constant 0 : index
    %get3A_375 = arith.constant 5120 : index
    %get3A_376 = vector.load %arg6[%get3A_374, %get3A_375] : memref<1x8192xf32, #tpu.memory_space<vmem>>, vector<1x1024xf32>
    %add3A_377 = vector.broadcast %get3A_376 : vector<1x1024xf32> to vector<1024x1024xf32>
    %add3A_378 = arith.addf %sub3A_373, %add3A_377 : vector<1024x1024xf32>
    %get3A_379 = arith.constant 0 : index
    %get3A_380 = arith.constant 0 : index
    %get3A_381 = vector.load %arg7[%get3A_379, %get3A_380] : memref<1024x128xf32, #tpu.memory_space<vmem>>, vector<1024x128xf32>
    %get3A_382 = arith.constant 0 : index
    %get3A_383 = arith.constant 0 : index
    %get3A_384 = vector.load %arg8[%get3A_382, %get3A_383] : memref<1024x128xi32, #tpu.memory_space<vmem>>, vector<1024x128xi32>
    %slice3A_385 = vector.extract_strided_slice %add3A_378 {offsets = [0, 0], sizes = [1024, 128], strides = [1, 1]} : vector<1024x1024xf32> to vector<1024x128xf32>
    %lt3A_386 = arith.cmpf olt, %slice3A_385, %get3A_381 : vector<1024x128xf32>
    %select_n3A_387 = arith.select %lt3A_386, %slice3A_385, %get3A_381 : vector<1024x128xi1>, vector<1024x128xf32>
    %jit3A_388 = arith.constant 40 : i32
    %broadcast_in_dim3A_389 = vector.broadcast %jit3A_388 : i32 to vector<1024x128xi32>
    %select_n3A_390 = arith.select %lt3A_386, %broadcast_in_dim3A_389, %get3A_384 : vector<1024x128xi1>, vector<1024x128xi32>
    %slice3A_391 = vector.extract_strided_slice %add3A_378 {offsets = [0, 128], sizes = [1024, 128], strides = [1, 1]} : vector<1024x1024xf32> to vector<1024x128xf32>
    %lt3A_392 = arith.cmpf olt, %slice3A_391, %select_n3A_387 : vector<1024x128xf32>
    %select_n3A_393 = arith.select %lt3A_392, %slice3A_391, %select_n3A_387 : vector<1024x128xi1>, vector<1024x128xf32>
    %jit3A_394 = arith.constant 41 : i32
    %broadcast_in_dim3A_395 = vector.broadcast %jit3A_394 : i32 to vector<1024x128xi32>
    %select_n3A_396 = arith.select %lt3A_392, %broadcast_in_dim3A_395, %select_n3A_390 : vector<1024x128xi1>, vector<1024x128xi32>
    %slice3A_397 = vector.extract_strided_slice %add3A_378 {offsets = [0, 256], sizes = [1024, 128], strides = [1, 1]} : vector<1024x1024xf32> to vector<1024x128xf32>
    %lt3A_398 = arith.cmpf olt, %slice3A_397, %select_n3A_393 : vector<1024x128xf32>
    %select_n3A_399 = arith.select %lt3A_398, %slice3A_397, %select_n3A_393 : vector<1024x128xi1>, vector<1024x128xf32>
    %jit3A_400 = arith.constant 42 : i32
    %broadcast_in_dim3A_401 = vector.broadcast %jit3A_400 : i32 to vector<1024x128xi32>
    %select_n3A_402 = arith.select %lt3A_398, %broadcast_in_dim3A_401, %select_n3A_396 : vector<1024x128xi1>, vector<1024x128xi32>
    %slice3A_403 = vector.extract_strided_slice %add3A_378 {offsets = [0, 384], sizes = [1024, 128], strides = [1, 1]} : vector<1024x1024xf32> to vector<1024x128xf32>
    %lt3A_404 = arith.cmpf olt, %slice3A_403, %select_n3A_399 : vector<1024x128xf32>
    %select_n3A_405 = arith.select %lt3A_404, %slice3A_403, %select_n3A_399 : vector<1024x128xi1>, vector<1024x128xf32>
    %jit3A_406 = arith.constant 43 : i32
    %broadcast_in_dim3A_407 = vector.broadcast %jit3A_406 : i32 to vector<1024x128xi32>
    %select_n3A_408 = arith.select %lt3A_404, %broadcast_in_dim3A_407, %select_n3A_402 : vector<1024x128xi1>, vector<1024x128xi32>
    %slice3A_409 = vector.extract_strided_slice %add3A_378 {offsets = [0, 512], sizes = [1024, 128], strides = [1, 1]} : vector<1024x1024xf32> to vector<1024x128xf32>
    %lt3A_410 = arith.cmpf olt, %slice3A_409, %select_n3A_405 : vector<1024x128xf32>
    %select_n3A_411 = arith.select %lt3A_410, %slice3A_409, %select_n3A_405 : vector<1024x128xi1>, vector<1024x128xf32>
    %jit3A_412 = arith.constant 44 : i32
    %broadcast_in_dim3A_413 = vector.broadcast %jit3A_412 : i32 to vector<1024x128xi32>
    %select_n3A_414 = arith.select %lt3A_410, %broadcast_in_dim3A_413, %select_n3A_408 : vector<1024x128xi1>, vector<1024x128xi32>
    %slice3A_415 = vector.extract_strided_slice %add3A_378 {offsets = [0, 640], sizes = [1024, 128], strides = [1, 1]} : vector<1024x1024xf32> to vector<1024x128xf32>
    %lt3A_416 = arith.cmpf olt, %slice3A_415, %select_n3A_411 : vector<1024x128xf32>
    %select_n3A_417 = arith.select %lt3A_416, %slice3A_415, %select_n3A_411 : vector<1024x128xi1>, vector<1024x128xf32>
    %jit3A_418 = arith.constant 45 : i32
    %broadcast_in_dim3A_419 = vector.broadcast %jit3A_418 : i32 to vector<1024x128xi32>
    %select_n3A_420 = arith.select %lt3A_416, %broadcast_in_dim3A_419, %select_n3A_414 : vector<1024x128xi1>, vector<1024x128xi32>
    %slice3A_421 = vector.extract_strided_slice %add3A_378 {offsets = [0, 768], sizes = [1024, 128], strides = [1, 1]} : vector<1024x1024xf32> to vector<1024x128xf32>
    %lt3A_422 = arith.cmpf olt, %slice3A_421, %select_n3A_417 : vector<1024x128xf32>
    %select_n3A_423 = arith.select %lt3A_422, %slice3A_421, %select_n3A_417 : vector<1024x128xi1>, vector<1024x128xf32>
    %jit3A_424 = arith.constant 46 : i32
    %broadcast_in_dim3A_425 = vector.broadcast %jit3A_424 : i32 to vector<1024x128xi32>
    %select_n3A_426 = arith.select %lt3A_422, %broadcast_in_dim3A_425, %select_n3A_420 : vector<1024x128xi1>, vector<1024x128xi32>
    %slice3A_427 = vector.extract_strided_slice %add3A_378 {offsets = [0, 896], sizes = [1024, 128], strides = [1, 1]} : vector<1024x1024xf32> to vector<1024x128xf32>
    %lt3A_428 = arith.cmpf olt, %slice3A_427, %select_n3A_423 : vector<1024x128xf32>
    %select_n3A_429 = arith.select %lt3A_428, %slice3A_427, %select_n3A_423 : vector<1024x128xi1>, vector<1024x128xf32>
    %jit3A_430 = arith.constant 47 : i32
    %broadcast_in_dim3A_431 = vector.broadcast %jit3A_430 : i32 to vector<1024x128xi32>
    %select_n3A_432 = arith.select %lt3A_428, %broadcast_in_dim3A_431, %select_n3A_426 : vector<1024x128xi1>, vector<1024x128xi32>
    %swap3A_433 = arith.constant 0 : index
    %swap3A_434 = arith.constant 0 : index
    %swap3A_435 = vector.load %arg7[%swap3A_433, %swap3A_434] : memref<1024x128xf32, #tpu.memory_space<vmem>>, vector<1024x128xf32>
    tpu.vector_store %arg7[%swap3A_433, %swap3A_434], %select_n3A_429 {strides = array<i32>} : memref<1024x128xf32, #tpu.memory_space<vmem>>, vector<1024x128xf32>,
    %swap3A_436 = arith.constant 0 : index
    %swap3A_437 = arith.constant 0 : index
    %swap3A_438 = vector.load %arg8[%swap3A_436, %swap3A_437] : memref<1024x128xi32, #tpu.memory_space<vmem>>, vector<1024x128xi32>
    tpu.vector_store %arg8[%swap3A_436, %swap3A_437], %select_n3A_432 {strides = array<i32>} : memref<1024x128xi32, #tpu.memory_space<vmem>>, vector<1024x128xi32>,
    %get3A_439 = arith.constant 6144 : index
    %get3A_440 = arith.constant 0 : index
    %get3A_441 = vector.load %arg5[%get3A_439, %get3A_440] : memref<8192x256xf32, #tpu.memory_space<vmem>>, vector<1024x256xf32>
    %dot_general3A_442 = arith.constant dense<0.000000e+00> : vector<1024x1024xf32>
    %dot_general3A_443 = tpu.matmul %get3A_3, %get3A_441, %dot_general3A_442 {dimension_numbers = #tpu.dot_dimension_numbers<[1], [1], [0], [0], [0, 0, 1, 0], [], []>, transpose_lhs_hint = false} : vector<1024x256xf32>, vector<1024x256xf32>, vector<1024x1024xf32> -> vector<1024x1024xf32>
    %sub3A_444 = vector.broadcast %broadcast_in_dim3A : vector<1024x1xf32> to vector<1024x1024xf32>
    %sub3A_445 = arith.subf %sub3A_444, %dot_general3A_443 : vector<1024x1024xf32>
    %get3A_446 = arith.constant 0 : index
    %get3A_447 = arith.constant 6144 : index
    %get3A_448 = vector.load %arg6[%get3A_446, %get3A_447] : memref<1x8192xf32, #tpu.memory_space<vmem>>, vector<1x1024xf32>
    %add3A_449 = vector.broadcast %get3A_448 : vector<1x1024xf32> to vector<1024x1024xf32>
    %add3A_450 = arith.addf %sub3A_445, %add3A_449 : vector<1024x1024xf32>
    %get3A_451 = arith.constant 0 : index
    %get3A_452 = arith.constant 0 : index
    %get3A_453 = vector.load %arg7[%get3A_451, %get3A_452] : memref<1024x128xf32, #tpu.memory_space<vmem>>, vector<1024x128xf32>
    %get3A_454 = arith.constant 0 : index
    %get3A_455 = arith.constant 0 : index
    %get3A_456 = vector.load %arg8[%get3A_454, %get3A_455] : memref<1024x128xi32, #tpu.memory_space<vmem>>, vector<1024x128xi32>
    %slice3A_457 = vector.extract_strided_slice %add3A_450 {offsets = [0, 0], sizes = [1024, 128], strides = [1, 1]} : vector<1024x1024xf32> to vector<1024x128xf32>
    %lt3A_458 = arith.cmpf olt, %slice3A_457, %get3A_453 : vector<1024x128xf32>
    %select_n3A_459 = arith.select %lt3A_458, %slice3A_457, %get3A_453 : vector<1024x128xi1>, vector<1024x128xf32>
    %jit3A_460 = arith.constant 48 : i32
    %broadcast_in_dim3A_461 = vector.broadcast %jit3A_460 : i32 to vector<1024x128xi32>
    %select_n3A_462 = arith.select %lt3A_458, %broadcast_in_dim3A_461, %get3A_456 : vector<1024x128xi1>, vector<1024x128xi32>
    %slice3A_463 = vector.extract_strided_slice %add3A_450 {offsets = [0, 128], sizes = [1024, 128], strides = [1, 1]} : vector<1024x1024xf32> to vector<1024x128xf32>
    %lt3A_464 = arith.cmpf olt, %slice3A_463, %select_n3A_459 : vector<1024x128xf32>
    %select_n3A_465 = arith.select %lt3A_464, %slice3A_463, %select_n3A_459 : vector<1024x128xi1>, vector<1024x128xf32>
    %jit3A_466 = arith.constant 49 : i32
    %broadcast_in_dim3A_467 = vector.broadcast %jit3A_466 : i32 to vector<1024x128xi32>
    %select_n3A_468 = arith.select %lt3A_464, %broadcast_in_dim3A_467, %select_n3A_462 : vector<1024x128xi1>, vector<1024x128xi32>
    %slice3A_469 = vector.extract_strided_slice %add3A_450 {offsets = [0, 256], sizes = [1024, 128], strides = [1, 1]} : vector<1024x1024xf32> to vector<1024x128xf32>
    %lt3A_470 = arith.cmpf olt, %slice3A_469, %select_n3A_465 : vector<1024x128xf32>
    %select_n3A_471 = arith.select %lt3A_470, %slice3A_469, %select_n3A_465 : vector<1024x128xi1>, vector<1024x128xf32>
    %jit3A_472 = arith.constant 50 : i32
    %broadcast_in_dim3A_473 = vector.broadcast %jit3A_472 : i32 to vector<1024x128xi32>
    %select_n3A_474 = arith.select %lt3A_470, %broadcast_in_dim3A_473, %select_n3A_468 : vector<1024x128xi1>, vector<1024x128xi32>
    %slice3A_475 = vector.extract_strided_slice %add3A_450 {offsets = [0, 384], sizes = [1024, 128], strides = [1, 1]} : vector<1024x1024xf32> to vector<1024x128xf32>
    %lt3A_476 = arith.cmpf olt, %slice3A_475, %select_n3A_471 : vector<1024x128xf32>
    %select_n3A_477 = arith.select %lt3A_476, %slice3A_475, %select_n3A_471 : vector<1024x128xi1>, vector<1024x128xf32>
    %jit3A_478 = arith.constant 51 : i32
    %broadcast_in_dim3A_479 = vector.broadcast %jit3A_478 : i32 to vector<1024x128xi32>
    %select_n3A_480 = arith.select %lt3A_476, %broadcast_in_dim3A_479, %select_n3A_474 : vector<1024x128xi1>, vector<1024x128xi32>
    %slice3A_481 = vector.extract_strided_slice %add3A_450 {offsets = [0, 512], sizes = [1024, 128], strides = [1, 1]} : vector<1024x1024xf32> to vector<1024x128xf32>
    %lt3A_482 = arith.cmpf olt, %slice3A_481, %select_n3A_477 : vector<1024x128xf32>
    %select_n3A_483 = arith.select %lt3A_482, %slice3A_481, %select_n3A_477 : vector<1024x128xi1>, vector<1024x128xf32>
    %jit3A_484 = arith.constant 52 : i32
    %broadcast_in_dim3A_485 = vector.broadcast %jit3A_484 : i32 to vector<1024x128xi32>
    %select_n3A_486 = arith.select %lt3A_482, %broadcast_in_dim3A_485, %select_n3A_480 : vector<1024x128xi1>, vector<1024x128xi32>
    %slice3A_487 = vector.extract_strided_slice %add3A_450 {offsets = [0, 640], sizes = [1024, 128], strides = [1, 1]} : vector<1024x1024xf32> to vector<1024x128xf32>
    %lt3A_488 = arith.cmpf olt, %slice3A_487, %select_n3A_483 : vector<1024x128xf32>
    %select_n3A_489 = arith.select %lt3A_488, %slice3A_487, %select_n3A_483 : vector<1024x128xi1>, vector<1024x128xf32>
    %jit3A_490 = arith.constant 53 : i32
    %broadcast_in_dim3A_491 = vector.broadcast %jit3A_490 : i32 to vector<1024x128xi32>
    %select_n3A_492 = arith.select %lt3A_488, %broadcast_in_dim3A_491, %select_n3A_486 : vector<1024x128xi1>, vector<1024x128xi32>
    %slice3A_493 = vector.extract_strided_slice %add3A_450 {offsets = [0, 768], sizes = [1024, 128], strides = [1, 1]} : vector<1024x1024xf32> to vector<1024x128xf32>
    %lt3A_494 = arith.cmpf olt, %slice3A_493, %select_n3A_489 : vector<1024x128xf32>
    %select_n3A_495 = arith.select %lt3A_494, %slice3A_493, %select_n3A_489 : vector<1024x128xi1>, vector<1024x128xf32>
    %jit3A_496 = arith.constant 54 : i32
    %broadcast_in_dim3A_497 = vector.broadcast %jit3A_496 : i32 to vector<1024x128xi32>
    %select_n3A_498 = arith.select %lt3A_494, %broadcast_in_dim3A_497, %select_n3A_492 : vector<1024x128xi1>, vector<1024x128xi32>
    %slice3A_499 = vector.extract_strided_slice %add3A_450 {offsets = [0, 896], sizes = [1024, 128], strides = [1, 1]} : vector<1024x1024xf32> to vector<1024x128xf32>
    %lt3A_500 = arith.cmpf olt, %slice3A_499, %select_n3A_495 : vector<1024x128xf32>
    %select_n3A_501 = arith.select %lt3A_500, %slice3A_499, %select_n3A_495 : vector<1024x128xi1>, vector<1024x128xf32>
    %jit3A_502 = arith.constant 55 : i32
    %broadcast_in_dim3A_503 = vector.broadcast %jit3A_502 : i32 to vector<1024x128xi32>
    %select_n3A_504 = arith.select %lt3A_500, %broadcast_in_dim3A_503, %select_n3A_498 : vector<1024x128xi1>, vector<1024x128xi32>
    %swap3A_505 = arith.constant 0 : index
    %swap3A_506 = arith.constant 0 : index
    %swap3A_507 = vector.load %arg7[%swap3A_505, %swap3A_506] : memref<1024x128xf32, #tpu.memory_space<vmem>>, vector<1024x128xf32>
    tpu.vector_store %arg7[%swap3A_505, %swap3A_506], %select_n3A_501 {strides = array<i32>} : memref<1024x128xf32, #tpu.memory_space<vmem>>, vector<1024x128xf32>,
    %swap3A_508 = arith.constant 0 : index
    %swap3A_509 = arith.constant 0 : index
    %swap3A_510 = vector.load %arg8[%swap3A_508, %swap3A_509] : memref<1024x128xi32, #tpu.memory_space<vmem>>, vector<1024x128xi32>
    tpu.vector_store %arg8[%swap3A_508, %swap3A_509], %select_n3A_504 {strides = array<i32>} : memref<1024x128xi32, #tpu.memory_space<vmem>>, vector<1024x128xi32>,
    %get3A_511 = arith.constant 7168 : index
    %get3A_512 = arith.constant 0 : index
    %get3A_513 = vector.load %arg5[%get3A_511, %get3A_512] : memref<8192x256xf32, #tpu.memory_space<vmem>>, vector<1024x256xf32>
    %dot_general3A_514 = arith.constant dense<0.000000e+00> : vector<1024x1024xf32>
    %dot_general3A_515 = tpu.matmul %get3A_3, %get3A_513, %dot_general3A_514 {dimension_numbers = #tpu.dot_dimension_numbers<[1], [1], [0], [0], [0, 0, 1, 0], [], []>, transpose_lhs_hint = false} : vector<1024x256xf32>, vector<1024x256xf32>, vector<1024x1024xf32> -> vector<1024x1024xf32>
    %sub3A_516 = vector.broadcast %broadcast_in_dim3A : vector<1024x1xf32> to vector<1024x1024xf32>
    %sub3A_517 = arith.subf %sub3A_516, %dot_general3A_515 : vector<1024x1024xf32>
    %get3A_518 = arith.constant 0 : index
    %get3A_519 = arith.constant 7168 : index
    %get3A_520 = vector.load %arg6[%get3A_518, %get3A_519] : memref<1x8192xf32, #tpu.memory_space<vmem>>, vector<1x1024xf32>
    %add3A_521 = vector.broadcast %get3A_520 : vector<1x1024xf32> to vector<1024x1024xf32>
    %add3A_522 = arith.addf %sub3A_517, %add3A_521 : vector<1024x1024xf32>
    %get3A_523 = arith.constant 0 : index
    %get3A_524 = arith.constant 0 : index
    %get3A_525 = vector.load %arg7[%get3A_523, %get3A_524] : memref<1024x128xf32, #tpu.memory_space<vmem>>, vector<1024x128xf32>
    %get3A_526 = arith.constant 0 : index
    %get3A_527 = arith.constant 0 : index
    %get3A_528 = vector.load %arg8[%get3A_526, %get3A_527] : memref<1024x128xi32, #tpu.memory_space<vmem>>, vector<1024x128xi32>
    %slice3A_529 = vector.extract_strided_slice %add3A_522 {offsets = [0, 0], sizes = [1024, 128], strides = [1, 1]} : vector<1024x1024xf32> to vector<1024x128xf32>
    %lt3A_530 = arith.cmpf olt, %slice3A_529, %get3A_525 : vector<1024x128xf32>
    %select_n3A_531 = arith.select %lt3A_530, %slice3A_529, %get3A_525 : vector<1024x128xi1>, vector<1024x128xf32>
    %jit3A_532 = arith.constant 56 : i32
    %broadcast_in_dim3A_533 = vector.broadcast %jit3A_532 : i32 to vector<1024x128xi32>
    %select_n3A_534 = arith.select %lt3A_530, %broadcast_in_dim3A_533, %get3A_528 : vector<1024x128xi1>, vector<1024x128xi32>
    %slice3A_535 = vector.extract_strided_slice %add3A_522 {offsets = [0, 128], sizes = [1024, 128], strides = [1, 1]} : vector<1024x1024xf32> to vector<1024x128xf32>
    %lt3A_536 = arith.cmpf olt, %slice3A_535, %select_n3A_531 : vector<1024x128xf32>
    %select_n3A_537 = arith.select %lt3A_536, %slice3A_535, %select_n3A_531 : vector<1024x128xi1>, vector<1024x128xf32>
    %jit3A_538 = arith.constant 57 : i32
    %broadcast_in_dim3A_539 = vector.broadcast %jit3A_538 : i32 to vector<1024x128xi32>
    %select_n3A_540 = arith.select %lt3A_536, %broadcast_in_dim3A_539, %select_n3A_534 : vector<1024x128xi1>, vector<1024x128xi32>
    %slice3A_541 = vector.extract_strided_slice %add3A_522 {offsets = [0, 256], sizes = [1024, 128], strides = [1, 1]} : vector<1024x1024xf32> to vector<1024x128xf32>
    %lt3A_542 = arith.cmpf olt, %slice3A_541, %select_n3A_537 : vector<1024x128xf32>
    %select_n3A_543 = arith.select %lt3A_542, %slice3A_541, %select_n3A_537 : vector<1024x128xi1>, vector<1024x128xf32>
    %jit3A_544 = arith.constant 58 : i32
    %broadcast_in_dim3A_545 = vector.broadcast %jit3A_544 : i32 to vector<1024x128xi32>
    %select_n3A_546 = arith.select %lt3A_542, %broadcast_in_dim3A_545, %select_n3A_540 : vector<1024x128xi1>, vector<1024x128xi32>
    %slice3A_547 = vector.extract_strided_slice %add3A_522 {offsets = [0, 384], sizes = [1024, 128], strides = [1, 1]} : vector<1024x1024xf32> to vector<1024x128xf32>
    %lt3A_548 = arith.cmpf olt, %slice3A_547, %select_n3A_543 : vector<1024x128xf32>
    %select_n3A_549 = arith.select %lt3A_548, %slice3A_547, %select_n3A_543 : vector<1024x128xi1>, vector<1024x128xf32>
    %jit3A_550 = arith.constant 59 : i32
    %broadcast_in_dim3A_551 = vector.broadcast %jit3A_550 : i32 to vector<1024x128xi32>
    %select_n3A_552 = arith.select %lt3A_548, %broadcast_in_dim3A_551, %select_n3A_546 : vector<1024x128xi1>, vector<1024x128xi32>
    %slice3A_553 = vector.extract_strided_slice %add3A_522 {offsets = [0, 512], sizes = [1024, 128], strides = [1, 1]} : vector<1024x1024xf32> to vector<1024x128xf32>
    %lt3A_554 = arith.cmpf olt, %slice3A_553, %select_n3A_549 : vector<1024x128xf32>
    %select_n3A_555 = arith.select %lt3A_554, %slice3A_553, %select_n3A_549 : vector<1024x128xi1>, vector<1024x128xf32>
    %jit3A_556 = arith.constant 60 : i32
    %broadcast_in_dim3A_557 = vector.broadcast %jit3A_556 : i32 to vector<1024x128xi32>
    %select_n3A_558 = arith.select %lt3A_554, %broadcast_in_dim3A_557, %select_n3A_552 : vector<1024x128xi1>, vector<1024x128xi32>
    %slice3A_559 = vector.extract_strided_slice %add3A_522 {offsets = [0, 640], sizes = [1024, 128], strides = [1, 1]} : vector<1024x1024xf32> to vector<1024x128xf32>
    %lt3A_560 = arith.cmpf olt, %slice3A_559, %select_n3A_555 : vector<1024x128xf32>
    %select_n3A_561 = arith.select %lt3A_560, %slice3A_559, %select_n3A_555 : vector<1024x128xi1>, vector<1024x128xf32>
    %jit3A_562 = arith.constant 61 : i32
    %broadcast_in_dim3A_563 = vector.broadcast %jit3A_562 : i32 to vector<1024x128xi32>
    %select_n3A_564 = arith.select %lt3A_560, %broadcast_in_dim3A_563, %select_n3A_558 : vector<1024x128xi1>, vector<1024x128xi32>
    %slice3A_565 = vector.extract_strided_slice %add3A_522 {offsets = [0, 768], sizes = [1024, 128], strides = [1, 1]} : vector<1024x1024xf32> to vector<1024x128xf32>
    %lt3A_566 = arith.cmpf olt, %slice3A_565, %select_n3A_561 : vector<1024x128xf32>
    %select_n3A_567 = arith.select %lt3A_566, %slice3A_565, %select_n3A_561 : vector<1024x128xi1>, vector<1024x128xf32>
    %jit3A_568 = arith.constant 62 : i32
    %broadcast_in_dim3A_569 = vector.broadcast %jit3A_568 : i32 to vector<1024x128xi32>
    %select_n3A_570 = arith.select %lt3A_566, %broadcast_in_dim3A_569, %select_n3A_564 : vector<1024x128xi1>, vector<1024x128xi32>
    %slice3A_571 = vector.extract_strided_slice %add3A_522 {offsets = [0, 896], sizes = [1024, 128], strides = [1, 1]} : vector<1024x1024xf32> to vector<1024x128xf32>
    %lt3A_572 = arith.cmpf olt, %slice3A_571, %select_n3A_567 : vector<1024x128xf32>
    %select_n3A_573 = arith.select %lt3A_572, %slice3A_571, %select_n3A_567 : vector<1024x128xi1>, vector<1024x128xf32>
    %jit3A_574 = arith.constant 63 : i32
    %broadcast_in_dim3A_575 = vector.broadcast %jit3A_574 : i32 to vector<1024x128xi32>
    %select_n3A_576 = arith.select %lt3A_572, %broadcast_in_dim3A_575, %select_n3A_570 : vector<1024x128xi1>, vector<1024x128xi32>
    %swap3A_577 = arith.constant 0 : index
    %swap3A_578 = arith.constant 0 : index
    %swap3A_579 = vector.load %arg7[%swap3A_577, %swap3A_578] : memref<1024x128xf32, #tpu.memory_space<vmem>>, vector<1024x128xf32>
    tpu.vector_store %arg7[%swap3A_577, %swap3A_578], %select_n3A_573 {strides = array<i32>} : memref<1024x128xf32, #tpu.memory_space<vmem>>, vector<1024x128xf32>,
    %swap3A_580 = arith.constant 0 : index
    %swap3A_581 = arith.constant 0 : index
    %swap3A_582 = vector.load %arg8[%swap3A_580, %swap3A_581] : memref<1024x128xi32, #tpu.memory_space<vmem>>, vector<1024x128xi32>
    tpu.vector_store %arg8[%swap3A_580, %swap3A_581], %select_n3A_576 {strides = array<i32>} : memref<1024x128xi32, #tpu.memory_space<vmem>>, vector<1024x128xi32>,
    %get3A_583 = arith.constant 0 : index
    %get3A_584 = arith.constant 0 : index
    %get3A_585 = vector.load %arg7[%get3A_583, %get3A_584] : memref<1024x128xf32, #tpu.memory_space<vmem>>, vector<1024x128xf32>
    %reduce_min3A = arith.constant dense<0x7F800000> : vector<1024xf32>
    %reduce_min3A_586 = vector.multi_reduction <minimumf>, %get3A_585, %reduce_min3A [1] : vector<1024x128xf32> to vector<1024xf32>
    %broadcast_in_dim3A_587 = vector.shape_cast %reduce_min3A_586 : vector<1024xf32> to vector<1024x1xf32>
    %get3A_588 = arith.constant 0 : index
    %get3A_589 = arith.constant 0 : index
    %get3A_590 = vector.load %arg8[%get3A_588, %get3A_589] : memref<1024x128xi32, #tpu.memory_space<vmem>>, vector<1024x128xi32>
    %mul3A = arith.constant 128 : i32
    %mul3A_591 = vector.broadcast %mul3A : i32 to vector<1024x128xi32>
    %mul3A_592 = arith.muli %get3A_590, %mul3A_591 : vector<1024x128xi32>
    %iota3A = tpu.iota {dimensions = array<i32: 1>} : vector<1024x128xi32>
    %add3A_593 = arith.addi %mul3A_592, %iota3A : vector<1024x128xi32>
    %eq3A_594 = vector.broadcast %broadcast_in_dim3A_587 : vector<1024x1xf32> to vector<1024x128xf32>
    %eq3A_595 = arith.cmpf oeq, %get3A_585, %eq3A_594 : vector<1024x128xf32>
    %jit3A_596 = arith.constant 2147483647 : i32
    %broadcast_in_dim3A_597 = vector.broadcast %jit3A_596 : i32 to vector<1024x128xi32>
    %select_n3A_598 = arith.select %eq3A_595, %add3A_593, %broadcast_in_dim3A_597 : vector<1024x128xi1>, vector<1024x128xi32>
    %reduce_min3A_599 = arith.constant dense<2147483647> : vector<1024xi32>
    %reduce_min3A_600 = vector.multi_reduction <minsi>, %select_n3A_598, %reduce_min3A_599 [1] : vector<1024x128xi32> to vector<1024xi32>
    %broadcast_in_dim3A_601 = vector.shape_cast %reduce_min3A_600 : vector<1024xi32> to vector<1024x1xi32>
    %swap3A_602 = arith.constant 0 : index
    %swap3A_603 = arith.constant 0 : index
    %swap3A_604 = vector.load %arg3[%swap3A_602, %swap3A_603] : memref<1024x1xi32, #tpu.memory_space<vmem>>, vector<1024x1xi32>
    tpu.vector_store %arg3[%swap3A_602, %swap3A_603], %broadcast_in_dim3A_601 {strides = array<i32>} : memref<1024x1xi32, #tpu.memory_space<vmem>>, vector<1024x1xi32>,
    %reduce_sum3A_605 = vector.shape_cast %broadcast_in_dim3A_587 : vector<1024x1xf32> to vector<1x1024x1xf32>
    %reduce_sum3A_606 = arith.constant dense<0.000000e+00> : vector<1xf32>
    %reduce_sum3A_607 = vector.multi_reduction <add>, %reduce_sum3A_605, %reduce_sum3A_606 [1, 2] : vector<1x1024x1xf32> to vector<1xf32>
    %reduce_sum3A_608 = vector.shape_cast %reduce_sum3A_607 : vector<1xf32> to vector<1x1x1xf32>
    %reduce_sum3A_609 = vector.extract %reduce_sum3A_608[0, 0, 0] : f32 from vector<1x1x1xf32>
    %reshape3A = vector.broadcast %reduce_sum3A_609 : f32 to vector<1x1xf32>
    %eq3A_610 = arith.constant 0 : i32
    %eq3A_611 = arith.cmpi eq, %arg0, %eq3A_610 : i32
    %convert_element_type3A_612 = arith.extui %eq3A_611 : i1 to i32
    %cond3A_613 = arith.constant 0 : i32
    %cond3A_614 = arith.cmpi ne, %convert_element_type3A_612, %cond3A_613 : i32
    scf.if %cond3A_614 {
      %swap3A_619 = arith.constant 0 : index
      %swap3A_620 = arith.constant 0 : index
      %swap3A_621 = vector.load %arg4[%swap3A_619, %swap3A_620] : memref<1x1xf32, #tpu.memory_space<vmem>>, vector<1x1xf32>
      tpu.vector_store %arg4[%swap3A_619, %swap3A_620], %reshape3A {strides = array<i32>} : memref<1x1xf32, #tpu.memory_space<vmem>>, vector<1x1xf32>,
    } else {
    }
    %gt3A = arith.constant 0 : i32
    %gt3A_615 = arith.cmpi sgt, %arg0, %gt3A : i32
    %convert_element_type3A_616 = arith.extui %gt3A_615 : i1 to i32
    %cond3A_617 = arith.constant 0 : i32
    %cond3A_618 = arith.cmpi ne, %convert_element_type3A_616, %cond3A_617 : i32
    scf.if %cond3A_618 {
      %get3A_619 = arith.constant 0 : index
      %get3A_620 = arith.constant 0 : index
      %get3A_621 = vector.load %arg4[%get3A_619, %get3A_620] : memref<1x1xf32, #tpu.memory_space<vmem>>, vector<1x1xf32>
      %add3A_622 = arith.addf %get3A_621, %reshape3A : vector<1x1xf32>
      %swap3A_623 = arith.constant 0 : index
      %swap3A_624 = arith.constant 0 : index
      %swap3A_625 = vector.load %arg4[%swap3A_623, %swap3A_624] : memref<1x1xf32, #tpu.memory_space<vmem>>, vector<1x1xf32>
      tpu.vector_store %arg4[%swap3A_623, %swap3A_624], %add3A_622 {strides = array<i32>} : memref<1x1xf32, #tpu.memory_space<vmem>>, vector<1x1xf32>,
    } else {
    }
    return
  }
  func.func @transform_0(%arg0: i32) -> (i32, i32) {
    %c0_i32 = arith.constant 0 : i32
    %c0_i32_0 = arith.constant 0 : i32
    return %arg0, %c0_i32 : i32, i32
  }
  func.func @transform_1(%arg0: i32) -> (i32, i32) {
    %c0_i32 = arith.constant 0 : i32
    %c0_i32_0 = arith.constant 0 : i32
    %c0_i32_1 = arith.constant 0 : i32
    return %c0_i32, %c0_i32_0 : i32, i32
  }
  func.func @transform_2(%arg0: i32) -> (i32, i32) {
    %c0_i32 = arith.constant 0 : i32
    %c0_i32_0 = arith.constant 0 : i32
    return %arg0, %c0_i32 : i32, i32
  }
  func.func @transform_3(%arg0: i32) -> (i32, i32) {
    %c0_i32 = arith.constant 0 : i32
    %c0_i32_0 = arith.constant 0 : i32
    %c0_i32_1 = arith.constant 0 : i32
    return %c0_i32, %c0_i32_0 : i32, i32
  }
}

</mosaic_0001>

<sc_bundles>
// kernel: kernel.4.cloned.1.call-start
scs
__scs_entry_jumppad:
0x0: {  	(pc) =	sbr.rel $0x88, $3  }
0x1: {  	(tag) =	ssettag $0x0;
	lr =	simm.s32 $0x1  }
0x2: {  	[smem:$0x3F9F] =	sst lr;
	_ =	strace $0xD0000000  }
0x3: {  	_ = 	snop  }
0x4: {  	_ = 	snop  }
0x5: {  	_ = 	snop  }
0x6: {  	_ = 	snop  }
0x7: {  	_ = 	snop  }
__scs_overlays_trampoline_lowered:
0x8: {  	[smem:$0x3FAE] =	sst s0  }
0x9: {  	[smem:$0x3FAF] =	sst s1  }
0xa: {  	[smem:$0x3FB0] =	sst s2  }
0xb: {  	[smem:$0x3FB1] =	sst s3  }
0xc: {  	[smem:$0x3FB2] =	sst s4  }
0xd: {  	[smem:$0x3FB3] =	sst s5  }
0xe: {  	[smem:$0x3FB4] =	sst s6  }
0xf: {  	[smem:$0x3FB5] =	sst s7  }
0x10: {  	[smem:$0x3FB6] =	sst s8  }
0x11: {  	[smem:$0x3FB7] =	sst s9;
	s0 =	simm.s32 @!p0 $0x0  }
0x12: {  	s1 =	sld [smem:$0x3F9D];
	s0 =	simm.s32 @p0 $0x1  }
0x13: {  	[smem:$0x3FB8] =	sst s0;
	s0 =	simm.s32 @!p1 $0x0  }
0x14: {  	s2 =	sld [smem:$0x3F9C];
	s0 =	simm.s32 @p1 $0x1  }
0x15: {  	[smem:$0x3FB9] =	sst s0;
	s0 =	simm.s32 @!p2 $0x0  }
0x16: {  	s3 =	sld [smem:$0x3FDB];
	s0 =	simm.s32 @p2 $0x1  }
0x17: {  	s4 =	simm.s32 $0x1BF5;
	[smem:$0x3FBB] =	sst s0  }
0x18: {  	s0 =	sld [smem:$0x3F9E];
	_ =	swait.ge [sflag:s4], $0x0  }
0x19: {  	s7 =	sld [smem:$0x3F9F]  }
0x1a: {  	s8 =	sadd.s32 $0xFFFFE003, lr  }
0x1b: {  	s9 =	sadd.s32 $0xFFFFFEF7, lr;
	s5 =	simm.s32 $0xFFFFFFFF;
	p2 =	slt.u32 s8, $0xFFFFF086  }
0x1c: {  	p1 =	slt.u32 s9, $0xF7A;
	s5 =	simm.s32 @!p2 $0x0  }
0x1d: {  	s5 =	simm.s32 @p1 $0x1;
	p0 =	seq.s32 s7, s2  }
0x1e: {  	s7 =	smul.u32 @!p0 $0xF7A, s2;
	p2 =	seq.s32 @!p0 s5, $0x0  }
0x1f: {  	s9 =	smul.u32 $0xF7A, s1;
	s8 =	simm.s32 @!p0 $0x1BF5;
	p2 =	por !p2, p0  }
0x20: {  	[sflag:s8] =	ssyncset.s32 @!p0 $0xFFFFF086;
	s6 =	sadd.s32 @!p0 s3, s7;
	s7 =	simm.s32 @!p0 $0x108  }
0x21: {  	s3 =	sadd.s32 s3, s9;
	s6 =	sadd.s32 @!p0 $0x88, s6;
	s7 =	simm.s32 @p2 $0x1082  }
0x22: {  	[simem:s7], [sflag:s8] =	dma.local @!p0 [hbm:s6], $0xF7A  }
0x23: {  	s9 =	sor.u32 $0xD0000000, s2;
	s6 =	simm.s32 $0x108;
	_ =	swait.ge @!p0 [sflag:s8], $0x0  }
0x24: {  	s3 =	sadd.s32 $0x88, s3;
	s6 =	simm.s32 @!p1 $0x1082;
	[sflag:s4] =	ssyncset.s32 $0xFFFFF086  }
0x25: {  	[simem:s6], [sflag:s4] =	dma.local [hbm:s3], $0xF7A  }
0x26: {  	[smem:$0x3F9F] =	sst s1;
	(tag) =	ssettag s2;
	_ =	strace s9  }
0x27: {  	s1 =	sld [smem:$0x3FAF]  }
0x28: {  	s2 =	sld [smem:$0x3FB0]  }
0x29: {  	s4 =	sld [smem:$0x3FB2]  }
0x2a: {  	p0 =	seq.s32 s5, $0x0;
	s5 =	sld [smem:$0x3FB3]  }
0x2b: {  	s6 =	sld [smem:$0x3FB4]  }
0x2c: {  	s7 =	sld [smem:$0x3FB5]  }
0x2d: {  	s3 =	simm.s32 $0x108;
	s8 =	sld [smem:$0x3FB6]  }
0x2e: {  	s3 =	simm.s32 @!p0 $0x1082;
	s9 =	sld [smem:$0x3FB7]  }
0x2f: {  	lr =	sadd.s32 s0, s3;
	s0 =	sld [smem:$0x3FAE]  }
0x30: {  	s3 =	sld [smem:$0x3FB1]  }
0x31: {  	[smem:$0x3FBA] =	sst s10  }
0x32: {  	s10 =	sld [smem:$0x3FB8];
	_ =	sdelay $0x3  }
0x33: {  	p0 =	seq.s32 s10, $0x1;
	s10 =	sld [smem:$0x3FBA];
	_ =	sdelay $0x3  }
0x34: {  	[smem:$0x3FBA] =	sst s10  }
0x35: {  	s10 =	sld [smem:$0x3FB9];
	_ =	sdelay $0x3  }
0x36: {  	p1 =	seq.s32 s10, $0x1;
	s10 =	sld [smem:$0x3FBA];
	_ =	sdelay $0x3  }
0x37: {  	[smem:$0x3FBA] =	sst s10  }
0x38: {  	s10 =	sld [smem:$0x3FBB]  }
0x39: {  	_ = 	snop;
	(pc) =	sbr.ind lr, $3  }
0x3a: {  	_ = 	snop  }
0x3b: {  	_ = 	snop  }
0x3c: {  	p2 =	seq.s32 s10, $0x1;
	s10 =	sld [smem:$0x3FBA]  }
0x3d: {  	_ =	shalt  }
0x3e: {  	_ =	shalt  }
0x3f: {  	_ =	shalt  }
0x40: {  	_ =	shalt  }
0x41: {  	_ =	shalt  }
0x42: {  	_ =	shalt  }
0x43: {  	_ =	shalt  }
0x44: {  	_ =	shalt  }
0x45: {  	_ =	shalt  }
0x46: {  	_ =	shalt  }
0x47: {  	_ =	shalt  }
0x48: {  	_ =	shalt  }
0x49: {  	_ =	shalt  }
0x4a: {  	_ =	shalt  }
0x4b: {  	_ =	shalt  }
0x4c: {  	_ =	shalt  }
0x4d: {  	_ =	shalt  }
0x4e: {  	_ =	shalt  }
0x4f: {  	_ =	shalt  }
0x50: {  	_ =	shalt  }
0x51: {  	_ =	shalt  }
0x52: {  	_ =	shalt  }
0x53: {  	_ =	shalt  }
0x54: {  	_ =	shalt  }
0x55: {  	_ =	shalt  }
0x56: {  	_ =	shalt  }
0x57: {  	_ =	shalt  }
0x58: {  	_ =	shalt  }
0x59: {  	_ =	shalt  }
0x5a: {  	_ =	shalt  }
0x5b: {  	_ =	shalt  }
0x5c: {  	_ =	shalt  }
0x5d: {  	_ =	shalt  }
0x5e: {  	_ =	shalt  }
0x5f: {  	_ =	shalt  }
0x60: {  	_ =	shalt  }
0x61: {  	_ =	shalt  }
0x62: {  	_ =	shalt  }
0x63: {  	_ =	shalt  }
0x64: {  	_ =	shalt  }
0x65: {  	_ =	shalt  }
0x66: {  	_ =	shalt  }
0x67: {  	_ =	shalt  }
0x68: {  	_ =	shalt  }
0x69: {  	_ =	shalt  }
0x6a: {  	_ =	shalt  }
0x6b: {  	_ =	shalt  }
0x6c: {  	_ =	shalt  }
0x6d: {  	_ =	shalt  }
0x6e: {  	_ =	shalt  }
0x6f: {  	_ =	shalt  }
0x70: {  	_ =	shalt  }
0x71: {  	_ =	shalt  }
0x72: {  	_ =	shalt  }
0x73: {  	_ =	shalt  }
0x74: {  	_ =	shalt  }
0x75: {  	_ =	shalt  }
0x76: {  	_ =	shalt  }
0x77: {  	_ =	shalt  }
0x78: {  	_ =	shalt  }
0x79: {  	_ =	shalt  }
0x7a: {  	_ =	shalt  }
0x7b: {  	_ =	shalt  }
0x7c: {  	_ =	shalt  }
0x7d: {  	_ =	shalt  }
0x7e: {  	_ =	shalt  }
0x7f: {  	_ =	shalt  }
0x80: {  	_ =	shalt  }
0x81: {  	_ =	shalt  }
0x82: {  	_ =	shalt  }
0x83: {  	_ =	shalt  }
0x84: {  	_ =	shalt  }
0x85: {  	_ =	shalt  }
0x86: {  	_ =	shalt  }
0x87: {  	_ =	shalt  }
.Lfunc_end0:
.L_simem_size_0:
called_computation_lowered:
.L_overlay_start_0:
0x88: {  	s2 =	sld [smem:$0x3FD9]  }
0x89: {  	s3 =	sld [smem:$0x3FFE];
	_ =	sdelay $0x1  }
0x8a: {  	s1 =	srdreg.scid  }
0x8b: {  	s0 =	sand.u32 $0x1, s1  }
0x8c: {  	s15 =	sshll.u32 s0, $0xA;
	s2 =	sadd.s32 s3, s2  }
0x8d: {  	s2 =	sadd.s32 s2, s15  }
0x8e: {  	[smem:$0x3FC6] =	sst s2  }
0x8f: {  	_ = 	snop  }
0x90: {  	s2 =	sld [smem:$0x3FD0];
	_ =	sdelay $0x2  }
0x91: {  	s4 =	simm.s32 $0xA;
	s5 =	simm.s32 $0x10;
	s16 =	sld [smem:$0x3FC8]  }
0x92: {  	[smem:s5], [sflag:s4] =	dma.local [hbm:s2], $0x1  }
0x93: {  	_ =	swait.eq [sflag:s4], $0x1  }
0x94: {  	[sflag:s4] =	ssyncset.done $0x0  }
0x95: {  	s17 =	sld [smem:$0x10];
	[sflag:s4] =	ssyncadd.s32 $0xFFFFFFFF  }
0x96: {  	s18 =	sld [smem:$0x13];
	(tm) =	ssettm $0x1  }
0x97: {  	s19 =	sld [smem:$0x3FFB];
	_ =	sdelay $0x3  }
0x98: {  	_ =	strace s19  }
0x99: {  	s5 =	sld [smem:$0x3FFC];
	_ =	sdelay $0x3  }
0x9a: {  	_ =	strace s5  }
0x9b: {  	s5 =	sld [smem:$0x3FFD];
	_ =	sdelay $0x3  }
0x9c: {  	_ =	strace s5  }
0x9d: {  	_ =	strace $0x8FFFFFFF  }
0x9e: {  	s20 =	sld [smem:$0x3FDB];
	_ =	sdelay $0x1  }
0x9f: {  	s6 =	simm.s32 $_scs_section_size  }
0xa0: {  	s7 =	simm.s32 $_size__tile_overlayer_lowered;
	s8 =	simm.s32 $_tile_overlayer_lowered  }
0xa1: {  	s23 =	simm.s32 $0x1BFF;
	s22 =	sshll.u32 s8, $0x1;
	s5 =	sadd.s32 s6, s20  }
0xa2: {  	s9 =	simm.s32 $0x0;
	s21 =	sshll.u32 s7, $0x1;
	s7 =	sadd.s32 s22, s5  }
0xa3: {  	[timem:s9], [sflag:s23] =	dma.local [hbm:s7], s21  }
0xa4: {  	_ =	swait.ge [sflag:s23], s21  }
0xa5: {  	s6 =	ssub.s32 $0x0, s21;
	[sflag:s23] =	ssyncset.done $0x0  }
0xa6: {  	[sflag:s23] =	ssyncadd.s32 s6;
	_ =	sdelay $0x1  }
0xa7: {  	s24 =	simm.s32 $0x1B8B  }
0xa8: {  	_ =	swait.ge [sflag:s24], $0x1  }
0xa9: {  	[sflag:s24] =	ssyncset.done $0x0  }
0xaa: {  	s25 =	simm.s32 $0x1B8E;
	[sflag:s24] =	ssyncadd.s32 $0xFFFFFFFF  }
0xab: {  	s26 =	simm.s32 $execute0_lowered;
	[smem:$0x3FD2] =	sst s25  }
0xac: {  	s6 =	sshll.u32 s26, $0x1;
	_ =	strace $0x80000046;
	[dreg:$0x1] =	wrdreg $0xFFFFFFFF  }
0xad: {  	s28 =	simm.s32 $_size_execute0_lowered;
	s5 =	sadd.s32 s5, s6;
	[dreg:$0x0] =	wrdreg $0x0  }
0xae: {  	s6 =	sshll.u32 s28, $0x1;
	[dreg:$0x2] =	wrdreg s5  }
0xaf: {  	[dreg:$0x3] =	wrdreg s6  }
0xb0: {  	[dreg:$0x4] =	wrdreg $0xC0  }
0xb1: {  	_ =	task [dreg:s9], $0x5FFFF  }
0xb2: {  	[dreg:$0x1] =	wrdreg $0xFFFFFFFF  }
0xb3: {  	[dreg:$0x0] =	wrdreg $0x60  }
0xb4: {  	[dreg:$0x2] =	wrdreg s16  }
0xb5: {  	[dreg:$0x3] =	wrdreg s18  }
0xb6: {  	[dreg:$0x4] =	wrdreg s17  }
0xb7: {  	[dreg:$0x5] =	wrdreg $0x9  }
0xb8: {  	_ =	task.clear_ibuf [dreg:s9], $0x6FFFF;
	_ =	strace $0x90000046  }
0xb9: {  	s29 =	simm.s32 $0x9;
	_ =	strace $0x80000048  }
0xba: {  	_ =	swait.ge [sflag:s29], $0x1  }
0xbb: {  	[sflag:s29] =	ssyncadd.s32 $0xFFFFFFFF  }
0xbc: {  	_ =	strace $0x90000048  }
0xbd: {  	_ =	sfence  }
0xbe: {  	s30 =	sld [smem:$0x0];
	_ =	sdelay $0x2  }
0xbf: {  	s31 =	sshll.u32 s1, $0xD;
	s1 =	sshrl.u32 s1, $0x2  }
0xc0: {  	s3 =	sand.u32 $0x4000, s31;
	s1 =	sadd.s32 s1, s30  }
0xc1: {  	s0 =	sor.u32 s3, s0;
	s1 =	sshll.u32 s1, $0x11  }
0xc2: {  	s0 =	sor.u32 s1, s0  }
0xc3: {  	s0 =	sadd.s32 $0x8F2B, s0  }
0xc4: {  	[sflag:s0] =	ssyncadd.remote.s32 $0x1  }
0xc5: {  	_ =	sfence.sel $0xFFFF  }
0xc6: {  	[dreg:$0x0] =	wrdreg $0xFFFFFFFF;
	(pc) =	sbr.abs _section_cstart, $3  }
0xc7: {  	[dreg:$0x1] =	wrdreg $0xFFFFFFFF  }
0xc8: {  	_ =	task.clear_ibuf [dreg:s9], $0x2FFFF;
	_ =	strace $0x9FFFFFFF  }
0xc9: {  	(tm) =	ssettm $0x7FFFFFFF  }
tec
execute0_lowered:
.L_overlay_start_1:
0x0: {  	(tag) =	ssettag $0x1  }
0x1: {  	s1 =	rddreg [dreg:$0x0]  }
0x2: {  	s0 =	srdreg.scid;
	s2 =	rddreg [dreg:$0x1]  }
0x3: {  	s3 =	stileid.u32;
	s4 =	rddreg [dreg:$0x2];
	s15 =	simm.s32 $0x2  }
0x4: {  	s17 =	simm.s32 $0x1200;
	s18 =	simm.s32 $0x1A00;
	s19 =	simm.s32 $0x2200  }
0x5: {  	s20 =	simm.s32 $0x2A00;
	s21 =	simm.s32 $0x3200;
	s22 =	simm.s32 $0x3A00  }
0x6: {  	s28 =	simm.s32 $0x5A00;
	s29 =	simm.s32 $0x6200;
	s30 =	simm.s32 $0x6A00  }
0x7: {  	s31 =	simm.s32 $0x7200;
	s8 =	simm.s32 $0x9200;
	s9 =	simm.s32 $0x9A00  }
0x8: {  	s10 =	simm.s32 $0xA200;
	s11 =	simm.s32 $0xAA00;
	s0 =	sand.u32 $0x1, s0  }
0x9: {  	s13 =	simm.s32 $0xBA00;
	s5 =	sshll.u32 s3, $0xA;
	s6 =	sshll.u32 s0, $0x9  }
0xa: {  	s14 =	simm.s32 $0x200;
	s3 =	simm.s32 $0x0;
	s5 =	sor.u32 s6, s5  }
0xb: {  	[smem:$0x7FF] =	sst s3;
	s0 =	ssub.s32 $0x2, s0;
	s6 =	sshrl.u32 s5, $0x3  }
0xc: {  	_ =	strace $0x80000047;
	s5 =	sshll.u32 s5, $0x5;
	s2 =	sadd.s32 s2, s6  }
0xd: {  	s25 =	sshrl.u32 s0, $0x1;
	s4 =	sadd.s32 s4, s5;
	[dreg:$0x4] =	wrdreg s2  }
0xe: {  	s0 =	ssub.s32 s0, s25;
	s23 =	sadd.s32 $0x1000, s4;
	[dreg:$0x8] =	wrdreg s4  }
0xf: {  	s25 =	simm.s32 $0x4A00;
	s24 =	sadd.s32 $0x2000, s4;
	[dreg:$0x5] =	wrdreg s23  }
0x10: {  	v2 =	vlaneseq.u32;
	s5 =	smax.u32 s0, $0x1;
	s26 =	sadd.s32 $0x3000, s4;
	[dreg:$0x6] =	wrdreg s24  }
0x11: {  	vm0 =	vmmov $0xffff;
	v1 =	vshrl.u32 v2, $0x3;
	s6 =	simm.s32 $0x3;
	s4 =	simm.s32 $0x1;
	[dreg:$0x7] =	wrdreg s26  }
0x12: {  	v0 =	vand.u32 $0x7, v2;
	v2 =	vor.u32 $0x8, v2;
	v1 =	vmul.u32 $0x8, v1;
	s24 =	simm.s32 $0x4200;
	s26 =	simm.s32 $0x5200;
	s23 =	simm.s32 $0x8A00  }
.LBB2_1:
0x13: {  	s16 =	rddreg [dreg:$0x4]  }
0x14: {  	[tilespmem:s3], [sflag:$0x3] =	stream.linear.gather [hbm4b:s16+s3], $0x200, $0x38;
	[tilespmem:$0x10200] =	vst v63  }
0x15: {  	_ =	swait.ge [sflag:s6], $0x200  }
0x16: {  	[sflag:s6] =	ssyncset.done $0x0  }
0x17: {  	[sflag:s6] =	ssyncadd.s32 $0xFFFFFE00  }
0x18: {  	v3 =	vld [tilespmem:$0x0];
	_ =	sdelay $0x4  }
0x19: {  	v4 =	vshll.u32 v3, $0x1  }
0x1a: {  	v3 =	vand.u32 $0x7, v3;
	v4 =	vand.u32 $0xFFFFFFF0, v4  }
0x1b: {  	v3 =	vor.u32 v3, v4  }
0x1c: {  	v4 =	vperm.xlane v3, v0;
	_ =	sdelay $0x1  }
0x1d: {  	v3 =	vperm.xlane v3, v2;
	v4 =	vadd.s32 v1, v4;
	_ =	sdelay $0x1  }
0x1e: {  	v3 =	vadd.s32 v1, v3;
	_ =	sdelay $0x1  }
0x1f: {  	s0 =	simm.s32 $0x200  }
0x20: {  	[tilespmem:s0], [sflag:$0x1] =	stream.indirect_vreg.gather [hbm4b:s1+s3], $0x80, v4, vm0, $0xb8;
	[tilespmem:$0x10200] =	vst v63  }
0x21: {  	s16 =	simm.s32 $0xA00  }
0x22: {  	[tilespmem:s16], [sflag:$0x1] =	stream.indirect_vreg.gather [hbm4b:s1+s3], $0x80, v3, vm0, $0xb8;
	[tilespmem:$0x10200] =	vst v63  }
0x23: {  	v3 =	vld [tilespmem:$0x10];
	_ =	sdelay $0x4  }
0x24: {  	v33 =	vshll.u32 v3, $0x1  }
0x25: {  	v3 =	vand.u32 $0x7, v3;
	v4 =	vand.u32 $0xFFFFFFF0, v33  }
0x26: {  	v3 =	vor.u32 v3, v4  }
0x27: {  	v4 =	vperm.xlane v3, v0;
	_ =	sdelay $0x1  }
0x28: {  	v3 =	vperm.xlane v3, v2;
	v4 =	vadd.s32 v1, v4;
	_ =	sdelay $0x1  }
0x29: {  	v3 =	vadd.s32 v1, v3;
	_ =	sdelay $0x2  }
0x2a: {  	[tilespmem:s17], [sflag:$0x1] =	stream.indirect_vreg.gather [hbm4b:s1+s3], $0x80, v4, vm0, $0xb8;
	[tilespmem:$0x10200] =	vst v63  }
0x2b: {  	_ = 	snop  }
0x2c: {  	[tilespmem:s18], [sflag:$0x1] =	stream.indirect_vreg.gather [hbm4b:s1+s3], $0x80, v3, vm0, $0xb8;
	[tilespmem:$0x10200] =	vst v63  }
0x2d: {  	v3 =	vld [tilespmem:$0x20];
	_ =	sdelay $0x4  }
0x2e: {  	v34 =	vshll.u32 v3, $0x1  }
0x2f: {  	v3 =	vand.u32 $0x7, v3;
	v4 =	vand.u32 $0xFFFFFFF0, v34  }
0x30: {  	v3 =	vor.u32 v3, v4  }
0x31: {  	v4 =	vperm.xlane v3, v0;
	_ =	sdelay $0x1  }
0x32: {  	v3 =	vperm.xlane v3, v2;
	v4 =	vadd.s32 v1, v4;
	_ =	sdelay $0x1  }
0x33: {  	v3 =	vadd.s32 v1, v3;
	_ =	sdelay $0x2  }
0x34: {  	[tilespmem:s19], [sflag:$0x1] =	stream.indirect_vreg.gather [hbm4b:s1+s3], $0x80, v4, vm0, $0xb8;
	[tilespmem:$0x10200] =	vst v63  }
0x35: {  	_ = 	snop  }
0x36: {  	[tilespmem:s20], [sflag:$0x1] =	stream.indirect_vreg.gather [hbm4b:s1+s3], $0x80, v3, vm0, $0xb8;
	[tilespmem:$0x10200] =	vst v63  }
0x37: {  	v3 =	vld [tilespmem:$0x30];
	_ =	sdelay $0x4  }
0x38: {  	v35 =	vshll.u32 v3, $0x1  }
0x39: {  	v3 =	vand.u32 $0x7, v3;
	v4 =	vand.u32 $0xFFFFFFF0, v35  }
0x3a: {  	v3 =	vor.u32 v3, v4  }
0x3b: {  	v4 =	vperm.xlane v3, v0;
	_ =	sdelay $0x1  }
0x3c: {  	v3 =	vperm.xlane v3, v2;
	v4 =	vadd.s32 v1, v4;
	_ =	sdelay $0x1  }
0x3d: {  	v3 =	vadd.s32 v1, v3;
	_ =	sdelay $0x2  }
0x3e: {  	[tilespmem:s21], [sflag:$0x1] =	stream.indirect_vreg.gather [hbm4b:s1+s3], $0x80, v4, vm0, $0xb8;
	[tilespmem:$0x10200] =	vst v63  }
0x3f: {  	_ = 	snop  }
0x40: {  	[tilespmem:s22], [sflag:$0x1] =	stream.indirect_vreg.gather [hbm4b:s1+s3], $0x80, v3, vm0, $0xb8;
	[tilespmem:$0x10200] =	vst v63  }
0x41: {  	v3 =	vld [tilespmem:$0x40];
	_ =	sdelay $0x4  }
0x42: {  	v36 =	vshll.u32 v3, $0x1  }
0x43: {  	v3 =	vand.u32 $0x7, v3;
	v4 =	vand.u32 $0xFFFFFFF0, v36  }
0x44: {  	v3 =	vor.u32 v3, v4  }
0x45: {  	v4 =	vperm.xlane v3, v0;
	_ =	sdelay $0x1  }
0x46: {  	v3 =	vperm.xlane v3, v2;
	v4 =	vadd.s32 v1, v4;
	_ =	sdelay $0x1  }
0x47: {  	v3 =	vadd.s32 v1, v3;
	_ =	sdelay $0x2  }
0x48: {  	[tilespmem:s24], [sflag:$0x1] =	stream.indirect_vreg.gather [hbm4b:s1+s3], $0x80, v4, vm0, $0xb8;
	[tilespmem:$0x10200] =	vst v63  }
0x49: {  	_ = 	snop  }
0x4a: {  	[tilespmem:s25], [sflag:$0x1] =	stream.indirect_vreg.gather [hbm4b:s1+s3], $0x80, v3, vm0, $0xb8;
	[tilespmem:$0x10200] =	vst v63  }
0x4b: {  	v3 =	vld [tilespmem:$0x50];
	_ =	sdelay $0x4  }
0x4c: {  	v37 =	vshll.u32 v3, $0x1  }
0x4d: {  	v3 =	vand.u32 $0x7, v3;
	v4 =	vand.u32 $0xFFFFFFF0, v37  }
0x4e: {  	v3 =	vor.u32 v3, v4  }
0x4f: {  	v4 =	vperm.xlane v3, v0;
	_ =	sdelay $0x1  }
0x50: {  	v3 =	vperm.xlane v3, v2;
	v4 =	vadd.s32 v1, v4;
	_ =	sdelay $0x1  }
0x51: {  	v3 =	vadd.s32 v1, v3;
	_ =	sdelay $0x2  }
0x52: {  	[tilespmem:s26], [sflag:$0x1] =	stream.indirect_vreg.gather [hbm4b:s1+s3], $0x80, v4, vm0, $0xb8;
	[tilespmem:$0x10200] =	vst v63  }
0x53: {  	_ = 	snop  }
0x54: {  	[tilespmem:s28], [sflag:$0x1] =	stream.indirect_vreg.gather [hbm4b:s1+s3], $0x80, v3, vm0, $0xb8;
	[tilespmem:$0x10200] =	vst v63  }
0x55: {  	v3 =	vld [tilespmem:$0x60];
	_ =	sdelay $0x4  }
0x56: {  	v38 =	vshll.u32 v3, $0x1  }
0x57: {  	v3 =	vand.u32 $0x7, v3;
	v4 =	vand.u32 $0xFFFFFFF0, v38  }
0x58: {  	v3 =	vor.u32 v3, v4  }
0x59: {  	v4 =	vperm.xlane v3, v0;
	_ =	sdelay $0x1  }
0x5a: {  	v3 =	vperm.xlane v3, v2;
	v4 =	vadd.s32 v1, v4;
	_ =	sdelay $0x1  }
0x5b: {  	v3 =	vadd.s32 v1, v3;
	_ =	sdelay $0x2  }
0x5c: {  	[tilespmem:s29], [sflag:$0x1] =	stream.indirect_vreg.gather [hbm4b:s1+s3], $0x80, v4, vm0, $0xb8;
	[tilespmem:$0x10200] =	vst v63  }
0x5d: {  	_ = 	snop  }
0x5e: {  	[tilespmem:s30], [sflag:$0x1] =	stream.indirect_vreg.gather [hbm4b:s1+s3], $0x80, v3, vm0, $0xb8;
	[tilespmem:$0x10200] =	vst v63  }
0x5f: {  	v3 =	vld [tilespmem:$0x70];
	_ =	sdelay $0x4  }
0x60: {  	v39 =	vshll.u32 v3, $0x1  }
0x61: {  	v3 =	vand.u32 $0x7, v3;
	v4 =	vand.u32 $0xFFFFFFF0, v39  }
0x62: {  	v3 =	vor.u32 v3, v4  }
0x63: {  	v4 =	vperm.xlane v3, v0;
	_ =	sdelay $0x1  }
0x64: {  	v3 =	vperm.xlane v3, v2;
	v4 =	vadd.s32 v1, v4;
	_ =	sdelay $0x1  }
0x65: {  	v3 =	vadd.s32 v1, v3;
	_ =	sdelay $0x2  }
0x66: {  	[tilespmem:s31], [sflag:$0x1] =	stream.indirect_vreg.gather [hbm4b:s1+s3], $0x80, v4, vm0, $0xb8;
	[tilespmem:$0x10200] =	vst v63  }
0x67: {  	s2 =	simm.s32 $0x7A00  }
0x68: {  	[tilespmem:s2], [sflag:$0x1] =	stream.indirect_vreg.gather [hbm4b:s1+s3], $0x80, v3, vm0, $0xb8;
	[tilespmem:$0x10200] =	vst v63  }
0x69: {  	v3 =	vld [tilespmem:$0x80];
	_ =	sdelay $0x4  }
0x6a: {  	v40 =	vshll.u32 v3, $0x1  }
0x6b: {  	v3 =	vand.u32 $0x7, v3;
	v4 =	vand.u32 $0xFFFFFFF0, v40  }
0x6c: {  	v3 =	vor.u32 v3, v4  }
0x6d: {  	v4 =	vperm.xlane v3, v0;
	_ =	sdelay $0x1  }
0x6e: {  	v3 =	vperm.xlane v3, v2;
	v4 =	vadd.s32 v1, v4;
	_ =	sdelay $0x1  }
0x6f: {  	v3 =	vadd.s32 v1, v3;
	_ =	sdelay $0x1  }
0x70: {  	s0 =	simm.s32 $0x8200  }
0x71: {  	[tilespmem:s0], [sflag:$0x2] =	stream.indirect_vreg.gather [hbm4b:s1+s3], $0x80, v4, vm0, $0xb8;
	[tilespmem:$0x10200] =	vst v63  }
0x72: {  	_ = 	snop  }
0x73: {  	[tilespmem:s23], [sflag:$0x2] =	stream.indirect_vreg.gather [hbm4b:s1+s3], $0x80, v3, vm0, $0xb8;
	[tilespmem:$0x10200] =	vst v63  }
0x74: {  	v3 =	vld [tilespmem:$0x90];
	_ =	sdelay $0x4  }
0x75: {  	v41 =	vshll.u32 v3, $0x1  }
0x76: {  	v3 =	vand.u32 $0x7, v3;
	v4 =	vand.u32 $0xFFFFFFF0, v41  }
0x77: {  	v3 =	vor.u32 v3, v4  }
0x78: {  	v4 =	vperm.xlane v3, v0;
	_ =	sdelay $0x1  }
0x79: {  	v3 =	vperm.xlane v3, v2;
	v4 =	vadd.s32 v1, v4;
	_ =	sdelay $0x1  }
0x7a: {  	v3 =	vadd.s32 v1, v3;
	_ =	sdelay $0x2  }
0x7b: {  	[tilespmem:s8], [sflag:$0x2] =	stream.indirect_vreg.gather [hbm4b:s1+s3], $0x80, v4, vm0, $0xb8;
	[tilespmem:$0x10200] =	vst v63  }
0x7c: {  	_ = 	snop  }
0x7d: {  	[tilespmem:s9], [sflag:$0x2] =	stream.indirect_vreg.gather [hbm4b:s1+s3], $0x80, v3, vm0, $0xb8;
	[tilespmem:$0x10200] =	vst v63  }
0x7e: {  	v3 =	vld [tilespmem:$0xA0];
	_ =	sdelay $0x4  }
0x7f: {  	v42 =	vshll.u32 v3, $0x1  }
0x80: {  	v3 =	vand.u32 $0x7, v3;
	v4 =	vand.u32 $0xFFFFFFF0, v42  }
0x81: {  	v3 =	vor.u32 v3, v4  }
0x82: {  	v4 =	vperm.xlane v3, v0;
	_ =	sdelay $0x1  }
0x83: {  	v3 =	vperm.xlane v3, v2;
	v4 =	vadd.s32 v1, v4;
	_ =	sdelay $0x1  }
0x84: {  	v3 =	vadd.s32 v1, v3;
	_ =	sdelay $0x2  }
0x85: {  	[tilespmem:s10], [sflag:$0x2] =	stream.indirect_vreg.gather [hbm4b:s1+s3], $0x80, v4, vm0, $0xb8;
	[tilespmem:$0x10200] =	vst v63  }
0x86: {  	_ = 	snop  }
0x87: {  	[tilespmem:s11], [sflag:$0x2] =	stream.indirect_vreg.gather [hbm4b:s1+s3], $0x80, v3, vm0, $0xb8;
	[tilespmem:$0x10200] =	vst v63  }
0x88: {  	v3 =	vld [tilespmem:$0xB0];
	_ =	sdelay $0x4  }
0x89: {  	v43 =	vshll.u32 v3, $0x1  }
0x8a: {  	v3 =	vand.u32 $0x7, v3;
	v4 =	vand.u32 $0xFFFFFFF0, v43  }
0x8b: {  	v3 =	vor.u32 v3, v4  }
0x8c: {  	v4 =	vperm.xlane v3, v0;
	_ =	sdelay $0x1  }
0x8d: {  	v3 =	vperm.xlane v3, v2;
	v4 =	vadd.s32 v1, v4;
	_ =	sdelay $0x1  }
0x8e: {  	v3 =	vadd.s32 v1, v3;
	_ =	sdelay $0x1  }
0x8f: {  	s7 =	simm.s32 $0xB200  }
0x90: {  	[tilespmem:s7], [sflag:$0x2] =	stream.indirect_vreg.gather [hbm4b:s1+s3], $0x80, v4, vm0, $0xb8;
	[tilespmem:$0x10200] =	vst v63  }
0x91: {  	_ = 	snop  }
0x92: {  	[tilespmem:s13], [sflag:$0x2] =	stream.indirect_vreg.gather [hbm4b:s1+s3], $0x80, v3, vm0, $0xb8;
	[tilespmem:$0x10200] =	vst v63  }
0x93: {  	v3 =	vld [tilespmem:$0xC0];
	_ =	sdelay $0x4  }
0x94: {  	v44 =	vshll.u32 v3, $0x1  }
0x95: {  	v3 =	vand.u32 $0x7, v3;
	v4 =	vand.u32 $0xFFFFFFF0, v44  }
0x96: {  	v3 =	vor.u32 v3, v4  }
0x97: {  	v4 =	vperm.xlane v3, v0;
	_ =	sdelay $0x1  }
0x98: {  	v3 =	vperm.xlane v3, v2;
	v4 =	vadd.s32 v1, v4;
	_ =	sdelay $0x1  }
0x99: {  	v3 =	vadd.s32 v1, v3;
	_ =	sdelay $0x1  }
0x9a: {  	s7 =	simm.s32 $0xC200  }
0x9b: {  	[tilespmem:s7], [sflag:$0x2] =	stream.indirect_vreg.gather [hbm4b:s1+s3], $0x80, v4, vm0, $0xb8;
	[tilespmem:$0x10200] =	vst v63  }
0x9c: {  	s12 =	simm.s32 $0xCA00  }
0x9d: {  	[tilespmem:s12], [sflag:$0x2] =	stream.indirect_vreg.gather [hbm4b:s1+s3], $0x80, v3, vm0, $0xb8;
	[tilespmem:$0x10200] =	vst v63  }
0x9e: {  	v3 =	vld [tilespmem:$0xD0];
	_ =	sdelay $0x4  }
0x9f: {  	v45 =	vshll.u32 v3, $0x1  }
0xa0: {  	v3 =	vand.u32 $0x7, v3;
	v4 =	vand.u32 $0xFFFFFFF0, v45  }
0xa1: {  	v3 =	vor.u32 v3, v4  }
0xa2: {  	v4 =	vperm.xlane v3, v0;
	_ =	sdelay $0x1  }
0xa3: {  	v3 =	vperm.xlane v3, v2;
	v4 =	vadd.s32 v1, v4;
	_ =	sdelay $0x1  }
0xa4: {  	v3 =	vadd.s32 v1, v3;
	_ =	sdelay $0x1  }
0xa5: {  	s12 =	simm.s32 $0xD200  }
0xa6: {  	[tilespmem:s12], [sflag:$0x2] =	stream.indirect_vreg.gather [hbm4b:s1+s3], $0x80, v4, vm0, $0xb8;
	[tilespmem:$0x10200] =	vst v63  }
0xa7: {  	s12 =	simm.s32 $0xDA00  }
0xa8: {  	[tilespmem:s12], [sflag:$0x2] =	stream.indirect_vreg.gather [hbm4b:s1+s3], $0x80, v3, vm0, $0xb8;
	[tilespmem:$0x10200] =	vst v63  }
0xa9: {  	v3 =	vld [tilespmem:$0xE0];
	_ =	sdelay $0x4  }
0xaa: {  	v46 =	vshll.u32 v3, $0x1  }
0xab: {  	v3 =	vand.u32 $0x7, v3;
	v4 =	vand.u32 $0xFFFFFFF0, v46  }
0xac: {  	v3 =	vor.u32 v3, v4  }
0xad: {  	v4 =	vperm.xlane v3, v0;
	_ =	sdelay $0x1  }
0xae: {  	v3 =	vperm.xlane v3, v2;
	v4 =	vadd.s32 v1, v4;
	_ =	sdelay $0x1  }
0xaf: {  	v3 =	vadd.s32 v1, v3;
	_ =	sdelay $0x1  }
0xb0: {  	s12 =	simm.s32 $0xE200  }
0xb1: {  	[tilespmem:s12], [sflag:$0x2] =	stream.indirect_vreg.gather [hbm4b:s1+s3], $0x80, v4, vm0, $0xb8;
	[tilespmem:$0x10200] =	vst v63  }
0xb2: {  	s12 =	simm.s32 $0xEA00  }
0xb3: {  	[tilespmem:s12], [sflag:$0x2] =	stream.indirect_vreg.gather [hbm4b:s1+s3], $0x80, v3, vm0, $0xb8;
	[tilespmem:$0x10200] =	vst v63  }
0xb4: {  	v3 =	vld [tilespmem:$0xF0];
	_ =	sdelay $0x4  }
0xb5: {  	v47 =	vshll.u32 v3, $0x1  }
0xb6: {  	v3 =	vand.u32 $0x7, v3;
	v4 =	vand.u32 $0xFFFFFFF0, v47  }
0xb7: {  	v3 =	vor.u32 v3, v4  }
0xb8: {  	v4 =	vperm.xlane v3, v0;
	_ =	sdelay $0x1  }
0xb9: {  	v3 =	vperm.xlane v3, v2;
	v4 =	vadd.s32 v1, v4;
	_ =	sdelay $0x1  }
0xba: {  	v3 =	vadd.s32 v1, v3;
	_ =	sdelay $0x1  }
0xbb: {  	s12 =	simm.s32 $0xF200  }
0xbc: {  	[tilespmem:s12], [sflag:$0x2] =	stream.indirect_vreg.gather [hbm4b:s1+s3], $0x80, v4, vm0, $0xb8;
	[tilespmem:$0x10200] =	vst v63  }
0xbd: {  	s12 =	simm.s32 $0xFA00  }
0xbe: {  	[tilespmem:s12], [sflag:$0x2] =	stream.indirect_vreg.gather [hbm4b:s1+s3], $0x80, v3, vm0, $0xb8;
	[tilespmem:$0x10200] =	vst v63  }
0xbf: {  	_ =	swait.ge [sflag:s4], $0x8000  }
0xc0: {  	[sflag:s4] =	ssyncset.done $0x0  }
0xc1: {  	s12 =	rddreg [dreg:$0x8];
	[sflag:s4] =	ssyncadd.s32 $0xFFFF8000  }
0xc2: {  	[hbm4b:s12+s3] =	stream.linear.scatter [tilespmem:s14], [sflag:$0x3], $0x8000, $0x38;
	[tilespmem:$0x10200] =	vst v63  }
0xc3: {  	_ =	swait.ge [sflag:s6], $0x8000  }
0xc4: {  	[sflag:s6] =	ssyncset.done $0x0  }
0xc5: {  	[sflag:s6] =	ssyncadd.s32 $0xFFFF8000  }
0xc6: {  	v3 =	vld [tilespmem:$0x100];
	_ =	sdelay $0x4  }
0xc7: {  	v48 =	vshll.u32 v3, $0x1  }
0xc8: {  	v3 =	vand.u32 $0x7, v3;
	v4 =	vand.u32 $0xFFFFFFF0, v48  }
0xc9: {  	v3 =	vor.u32 v3, v4  }
0xca: {  	v4 =	vperm.xlane v3, v0;
	_ =	sdelay $0x1  }
0xcb: {  	v3 =	vperm.xlane v3, v2;
	v4 =	vadd.s32 v1, v4;
	_ =	sdelay $0x1  }
0xcc: {  	v3 =	vadd.s32 v1, v3;
	_ =	sdelay $0x2  }
0xcd: {  	[tilespmem:s14], [sflag:$0x1] =	stream.indirect_vreg.gather [hbm4b:s1+s3], $0x80, v4, vm0, $0xb8;
	[tilespmem:$0x10200] =	vst v63  }
0xce: {  	_ = 	snop  }
0xcf: {  	[tilespmem:s16], [sflag:$0x1] =	stream.indirect_vreg.gather [hbm4b:s1+s3], $0x80, v3, vm0, $0xb8;
	[tilespmem:$0x10200] =	vst v63  }
0xd0: {  	v3 =	vld [tilespmem:$0x110];
	_ =	sdelay $0x4  }
0xd1: {  	v49 =	vshll.u32 v3, $0x1  }
0xd2: {  	v3 =	vand.u32 $0x7, v3;
	v4 =	vand.u32 $0xFFFFFFF0, v49  }
0xd3: {  	v3 =	vor.u32 v3, v4  }
0xd4: {  	v4 =	vperm.xlane v3, v0;
	_ =	sdelay $0x1  }
0xd5: {  	v3 =	vperm.xlane v3, v2;
	v4 =	vadd.s32 v1, v4;
	_ =	sdelay $0x1  }
0xd6: {  	v3 =	vadd.s32 v1, v3;
	_ =	sdelay $0x2  }
0xd7: {  	[tilespmem:s17], [sflag:$0x1] =	stream.indirect_vreg.gather [hbm4b:s1+s3], $0x80, v4, vm0, $0xb8;
	[tilespmem:$0x10200] =	vst v63  }
0xd8: {  	_ = 	snop  }
0xd9: {  	[tilespmem:s18], [sflag:$0x1] =	stream.indirect_vreg.gather [hbm4b:s1+s3], $0x80, v3, vm0, $0xb8;
	[tilespmem:$0x10200] =	vst v63  }
0xda: {  	v3 =	vld [tilespmem:$0x120];
	_ =	sdelay $0x4  }
0xdb: {  	v50 =	vshll.u32 v3, $0x1  }
0xdc: {  	v3 =	vand.u32 $0x7, v3;
	v4 =	vand.u32 $0xFFFFFFF0, v50  }
0xdd: {  	v3 =	vor.u32 v3, v4  }
0xde: {  	v4 =	vperm.xlane v3, v0;
	_ =	sdelay $0x1  }
0xdf: {  	v3 =	vperm.xlane v3, v2;
	v4 =	vadd.s32 v1, v4;
	_ =	sdelay $0x1  }
0xe0: {  	v3 =	vadd.s32 v1, v3;
	_ =	sdelay $0x2  }
0xe1: {  	[tilespmem:s19], [sflag:$0x1] =	stream.indirect_vreg.gather [hbm4b:s1+s3], $0x80, v4, vm0, $0xb8;
	[tilespmem:$0x10200] =	vst v63  }
0xe2: {  	_ = 	snop  }
0xe3: {  	[tilespmem:s20], [sflag:$0x1] =	stream.indirect_vreg.gather [hbm4b:s1+s3], $0x80, v3, vm0, $0xb8;
	[tilespmem:$0x10200] =	vst v63  }
0xe4: {  	v3 =	vld [tilespmem:$0x130];
	_ =	sdelay $0x4  }
0xe5: {  	v51 =	vshll.u32 v3, $0x1  }
0xe6: {  	v3 =	vand.u32 $0x7, v3;
	v4 =	vand.u32 $0xFFFFFFF0, v51  }
0xe7: {  	v3 =	vor.u32 v3, v4  }
0xe8: {  	v4 =	vperm.xlane v3, v0;
	_ =	sdelay $0x1  }
0xe9: {  	v3 =	vperm.xlane v3, v2;
	v4 =	vadd.s32 v1, v4;
	_ =	sdelay $0x1  }
0xea: {  	v3 =	vadd.s32 v1, v3;
	_ =	sdelay $0x2  }
0xeb: {  	[tilespmem:s21], [sflag:$0x1] =	stream.indirect_vreg.gather [hbm4b:s1+s3], $0x80, v4, vm0, $0xb8;
	[tilespmem:$0x10200] =	vst v63  }
0xec: {  	_ = 	snop  }
0xed: {  	[tilespmem:s22], [sflag:$0x1] =	stream.indirect_vreg.gather [hbm4b:s1+s3], $0x80, v3, vm0, $0xb8;
	[tilespmem:$0x10200] =	vst v63  }
0xee: {  	v3 =	vld [tilespmem:$0x140];
	_ =	sdelay $0x4  }
0xef: {  	v52 =	vshll.u32 v3, $0x1  }
0xf0: {  	v3 =	vand.u32 $0x7, v3;
	v4 =	vand.u32 $0xFFFFFFF0, v52  }
0xf1: {  	v3 =	vor.u32 v3, v4  }
0xf2: {  	v4 =	vperm.xlane v3, v0;
	_ =	sdelay $0x1  }
0xf3: {  	v3 =	vperm.xlane v3, v2;
	v4 =	vadd.s32 v1, v4;
	_ =	sdelay $0x1  }
0xf4: {  	v3 =	vadd.s32 v1, v3;
	_ =	sdelay $0x2  }
0xf5: {  	[tilespmem:s24], [sflag:$0x1] =	stream.indirect_vreg.gather [hbm4b:s1+s3], $0x80, v4, vm0, $0xb8;
	[tilespmem:$0x10200] =	vst v63  }
0xf6: {  	_ = 	snop  }
0xf7: {  	[tilespmem:s25], [sflag:$0x1] =	stream.indirect_vreg.gather [hbm4b:s1+s3], $0x80, v3, vm0, $0xb8;
	[tilespmem:$0x10200] =	vst v63  }
0xf8: {  	v3 =	vld [tilespmem:$0x150];
	_ =	sdelay $0x4  }
0xf9: {  	v53 =	vshll.u32 v3, $0x1  }
0xfa: {  	v3 =	vand.u32 $0x7, v3;
	v4 =	vand.u32 $0xFFFFFFF0, v53  }
0xfb: {  	v3 =	vor.u32 v3, v4  }
0xfc: {  	v4 =	vperm.xlane v3, v0;
	_ =	sdelay $0x1  }
0xfd: {  	v3 =	vperm.xlane v3, v2;
	v4 =	vadd.s32 v1, v4;
	_ =	sdelay $0x1  }
0xfe: {  	v3 =	vadd.s32 v1, v3;
	_ =	sdelay $0x2  }
0xff: {  	[tilespmem:s26], [sflag:$0x1] =	stream.indirect_vreg.gather [hbm4b:s1+s3], $0x80, v4, vm0, $0xb8;
	[tilespmem:$0x10200] =	vst v63  }
0x100: {  	_ = 	snop  }
0x101: {  	[tilespmem:s28], [sflag:$0x1] =	stream.indirect_vreg.gather [hbm4b:s1+s3], $0x80, v3, vm0, $0xb8;
	[tilespmem:$0x10200] =	vst v63  }
0x102: {  	v3 =	vld [tilespmem:$0x160];
	_ =	sdelay $0x4  }
0x103: {  	v54 =	vshll.u32 v3, $0x1  }
0x104: {  	v3 =	vand.u32 $0x7, v3;
	v4 =	vand.u32 $0xFFFFFFF0, v54  }
0x105: {  	v3 =	vor.u32 v3, v4  }
0x106: {  	v4 =	vperm.xlane v3, v0;
	_ =	sdelay $0x1  }
0x107: {  	v3 =	vperm.xlane v3, v2;
	v4 =	vadd.s32 v1, v4;
	_ =	sdelay $0x1  }
0x108: {  	v3 =	vadd.s32 v1, v3;
	_ =	sdelay $0x2  }
0x109: {  	[tilespmem:s29], [sflag:$0x1] =	stream.indirect_vreg.gather [hbm4b:s1+s3], $0x80, v4, vm0, $0xb8;
	[tilespmem:$0x10200] =	vst v63  }
0x10a: {  	_ = 	snop  }
0x10b: {  	[tilespmem:s30], [sflag:$0x1] =	stream.indirect_vreg.gather [hbm4b:s1+s3], $0x80, v3, vm0, $0xb8;
	[tilespmem:$0x10200] =	vst v63  }
0x10c: {  	v3 =	vld [tilespmem:$0x170];
	_ =	sdelay $0x4  }
0x10d: {  	v55 =	vshll.u32 v3, $0x1  }
0x10e: {  	v3 =	vand.u32 $0x7, v3;
	v4 =	vand.u32 $0xFFFFFFF0, v55  }
0x10f: {  	v3 =	vor.u32 v3, v4  }
0x110: {  	v4 =	vperm.xlane v3, v0;
	_ =	sdelay $0x1  }
0x111: {  	v3 =	vperm.xlane v3, v2;
	v4 =	vadd.s32 v1, v4;
	_ =	sdelay $0x1  }
0x112: {  	v3 =	vadd.s32 v1, v3;
	_ =	sdelay $0x2  }
0x113: {  	[tilespmem:s31], [sflag:$0x1] =	stream.indirect_vreg.gather [hbm4b:s1+s3], $0x80, v4, vm0, $0xb8;
	[tilespmem:$0x10200] =	vst v63  }
0x114: {  	_ = 	snop  }
0x115: {  	[tilespmem:s2], [sflag:$0x1] =	stream.indirect_vreg.gather [hbm4b:s1+s3], $0x80, v3, vm0, $0xb8;
	[tilespmem:$0x10200] =	vst v63  }
0x116: {  	_ =	swait.ge [sflag:s15], $0x8000  }
0x117: {  	[sflag:s15] =	ssyncset.done $0x0  }
0x118: {  	s2 =	rddreg [dreg:$0x5];
	[sflag:s15] =	ssyncadd.s32 $0xFFFF8000  }
0x119: {  	[hbm4b:s2+s3] =	stream.linear.scatter [tilespmem:s0], [sflag:$0x3], $0x8000, $0x38;
	[tilespmem:$0x10200] =	vst v63  }
0x11a: {  	_ =	swait.ge [sflag:s6], $0x8000  }
0x11b: {  	[sflag:s6] =	ssyncset.done $0x0  }
0x11c: {  	[sflag:s6] =	ssyncadd.s32 $0xFFFF8000  }
0x11d: {  	v3 =	vld [tilespmem:$0x180];
	_ =	sdelay $0x4  }
0x11e: {  	v56 =	vshll.u32 v3, $0x1  }
0x11f: {  	v3 =	vand.u32 $0x7, v3;
	v4 =	vand.u32 $0xFFFFFFF0, v56  }
0x120: {  	v3 =	vor.u32 v3, v4  }
0x121: {  	v4 =	vperm.xlane v3, v0;
	_ =	sdelay $0x1  }
0x122: {  	v3 =	vperm.xlane v3, v2;
	v4 =	vadd.s32 v1, v4;
	_ =	sdelay $0x1  }
0x123: {  	v3 =	vadd.s32 v1, v3;
	_ =	sdelay $0x2  }
0x124: {  	[tilespmem:s0], [sflag:$0x2] =	stream.indirect_vreg.gather [hbm4b:s1+s3], $0x80, v4, vm0, $0xb8;
	[tilespmem:$0x10200] =	vst v63  }
0x125: {  	_ = 	snop  }
0x126: {  	[tilespmem:s23], [sflag:$0x2] =	stream.indirect_vreg.gather [hbm4b:s1+s3], $0x80, v3, vm0, $0xb8;
	[tilespmem:$0x10200] =	vst v63  }
0x127: {  	v3 =	vld [tilespmem:$0x190];
	_ =	sdelay $0x4  }
0x128: {  	v57 =	vshll.u32 v3, $0x1  }
0x129: {  	v3 =	vand.u32 $0x7, v3;
	v4 =	vand.u32 $0xFFFFFFF0, v57  }
0x12a: {  	v3 =	vor.u32 v3, v4  }
0x12b: {  	v4 =	vperm.xlane v3, v0;
	_ =	sdelay $0x1  }
0x12c: {  	v3 =	vperm.xlane v3, v2;
	v4 =	vadd.s32 v1, v4;
	_ =	sdelay $0x1  }
0x12d: {  	v3 =	vadd.s32 v1, v3;
	_ =	sdelay $0x2  }
0x12e: {  	[tilespmem:s8], [sflag:$0x2] =	stream.indirect_vreg.gather [hbm4b:s1+s3], $0x80, v4, vm0, $0xb8;
	[tilespmem:$0x10200] =	vst v63  }
0x12f: {  	_ = 	snop  }
0x130: {  	[tilespmem:s9], [sflag:$0x2] =	stream.indirect_vreg.gather [hbm4b:s1+s3], $0x80, v3, vm0, $0xb8;
	[tilespmem:$0x10200] =	vst v63  }
0x131: {  	v3 =	vld [tilespmem:$0x1A0];
	_ =	sdelay $0x4  }
0x132: {  	v58 =	vshll.u32 v3, $0x1  }
0x133: {  	v3 =	vand.u32 $0x7, v3;
	v4 =	vand.u32 $0xFFFFFFF0, v58  }
0x134: {  	v3 =	vor.u32 v3, v4  }
0x135: {  	v4 =	vperm.xlane v3, v0;
	_ =	sdelay $0x1  }
0x136: {  	v3 =	vperm.xlane v3, v2;
	v4 =	vadd.s32 v1, v4;
	_ =	sdelay $0x1  }
0x137: {  	v3 =	vadd.s32 v1, v3;
	_ =	sdelay $0x2  }
0x138: {  	[tilespmem:s10], [sflag:$0x2] =	stream.indirect_vreg.gather [hbm4b:s1+s3], $0x80, v4, vm0, $0xb8;
	[tilespmem:$0x10200] =	vst v63  }
0x139: {  	_ = 	snop  }
0x13a: {  	[tilespmem:s11], [sflag:$0x2] =	stream.indirect_vreg.gather [hbm4b:s1+s3], $0x80, v3, vm0, $0xb8;
	[tilespmem:$0x10200] =	vst v63  }
0x13b: {  	v3 =	vld [tilespmem:$0x1B0];
	_ =	sdelay $0x4  }
0x13c: {  	v59 =	vshll.u32 v3, $0x1  }
0x13d: {  	v3 =	vand.u32 $0x7, v3;
	v4 =	vand.u32 $0xFFFFFFF0, v59  }
0x13e: {  	v3 =	vor.u32 v3, v4  }
0x13f: {  	v4 =	vperm.xlane v3, v0;
	_ =	sdelay $0x1  }
0x140: {  	v3 =	vperm.xlane v3, v2;
	v4 =	vadd.s32 v1, v4;
	_ =	sdelay $0x1  }
0x141: {  	v3 =	vadd.s32 v1, v3;
	_ =	sdelay $0x1  }
0x142: {  	s16 =	simm.s32 $0xB200  }
0x143: {  	[tilespmem:s16], [sflag:$0x2] =	stream.indirect_vreg.gather [hbm4b:s1+s3], $0x80, v4, vm0, $0xb8;
	[tilespmem:$0x10200] =	vst v63  }
0x144: {  	_ = 	snop  }
0x145: {  	[tilespmem:s13], [sflag:$0x2] =	stream.indirect_vreg.gather [hbm4b:s1+s3], $0x80, v3, vm0, $0xb8;
	[tilespmem:$0x10200] =	vst v63  }
0x146: {  	v3 =	vld [tilespmem:$0x1C0];
	_ =	sdelay $0x4  }
0x147: {  	v60 =	vshll.u32 v3, $0x1  }
0x148: {  	v3 =	vand.u32 $0x7, v3;
	v4 =	vand.u32 $0xFFFFFFF0, v60  }
0x149: {  	v3 =	vor.u32 v3, v4  }
0x14a: {  	v4 =	vperm.xlane v3, v0;
	_ =	sdelay $0x1  }
0x14b: {  	v3 =	vperm.xlane v3, v2;
	v4 =	vadd.s32 v1, v4;
	_ =	sdelay $0x1  }
0x14c: {  	v3 =	vadd.s32 v1, v3;
	_ =	sdelay $0x2  }
0x14d: {  	[tilespmem:s7], [sflag:$0x2] =	stream.indirect_vreg.gather [hbm4b:s1+s3], $0x80, v4, vm0, $0xb8;
	[tilespmem:$0x10200] =	vst v63  }
0x14e: {  	s16 =	simm.s32 $0xCA00  }
0x14f: {  	[tilespmem:s16], [sflag:$0x2] =	stream.indirect_vreg.gather [hbm4b:s1+s3], $0x80, v3, vm0, $0xb8;
	[tilespmem:$0x10200] =	vst v63  }
0x150: {  	v3 =	vld [tilespmem:$0x1D0];
	_ =	sdelay $0x4  }
0x151: {  	v61 =	vshll.u32 v3, $0x1  }
0x152: {  	v3 =	vand.u32 $0x7, v3;
	v4 =	vand.u32 $0xFFFFFFF0, v61  }
0x153: {  	v3 =	vor.u32 v3, v4  }
0x154: {  	v4 =	vperm.xlane v3, v0;
	_ =	sdelay $0x1  }
0x155: {  	v3 =	vperm.xlane v3, v2;
	v4 =	vadd.s32 v1, v4;
	_ =	sdelay $0x1  }
0x156: {  	v3 =	vadd.s32 v1, v3;
	_ =	sdelay $0x1  }
0x157: {  	s7 =	simm.s32 $0xD200  }
0x158: {  	[tilespmem:s7], [sflag:$0x2] =	stream.indirect_vreg.gather [hbm4b:s1+s3], $0x80, v4, vm0, $0xb8;
	[tilespmem:$0x10200] =	vst v63  }
0x159: {  	s16 =	simm.s32 $0xDA00  }
0x15a: {  	[tilespmem:s16], [sflag:$0x2] =	stream.indirect_vreg.gather [hbm4b:s1+s3], $0x80, v3, vm0, $0xb8;
	[tilespmem:$0x10200] =	vst v63  }
0x15b: {  	v3 =	vld [tilespmem:$0x1E0];
	_ =	sdelay $0x4  }
0x15c: {  	v62 =	vshll.u32 v3, $0x1  }
0x15d: {  	v3 =	vand.u32 $0x7, v3;
	v4 =	vand.u32 $0xFFFFFFF0, v62  }
0x15e: {  	v3 =	vor.u32 v3, v4  }
0x15f: {  	v4 =	vperm.xlane v3, v0;
	_ =	sdelay $0x1  }
0x160: {  	v3 =	vperm.xlane v3, v2;
	v4 =	vadd.s32 v1, v4;
	_ =	sdelay $0x1  }
0x161: {  	v3 =	vadd.s32 v1, v3;
	_ =	sdelay $0x1  }
0x162: {  	s7 =	simm.s32 $0xE200  }
0x163: {  	[tilespmem:s7], [sflag:$0x2] =	stream.indirect_vreg.gather [hbm4b:s1+s3], $0x80, v4, vm0, $0xb8;
	[tilespmem:$0x10200] =	vst v63  }
0x164: {  	s16 =	simm.s32 $0xEA00  }
0x165: {  	[tilespmem:s16], [sflag:$0x2] =	stream.indirect_vreg.gather [hbm4b:s1+s3], $0x80, v3, vm0, $0xb8;
	[tilespmem:$0x10200] =	vst v63  }
0x166: {  	v3 =	vld [tilespmem:$0x1F0];
	_ =	sdelay $0x4  }
0x167: {  	v63 =	vshll.u32 v3, $0x1  }
0x168: {  	v3 =	vand.u32 $0x7, v3;
	v4 =	vand.u32 $0xFFFFFFF0, v63  }
0x169: {  	v3 =	vor.u32 v3, v4  }
0x16a: {  	v4 =	vperm.xlane v3, v0;
	_ =	sdelay $0x1  }
0x16b: {  	v3 =	vperm.xlane v3, v2;
	v4 =	vadd.s32 v1, v4;
	_ =	sdelay $0x1  }
0x16c: {  	v3 =	vadd.s32 v1, v3;
	_ =	sdelay $0x1  }
0x16d: {  	s7 =	simm.s32 $0xF200  }
0x16e: {  	[tilespmem:s7], [sflag:$0x2] =	stream.indirect_vreg.gather [hbm4b:s1+s3], $0x80, v4, vm0, $0xb8;
	[tilespmem:$0x10200] =	vst v63  }
0x16f: {  	s16 =	simm.s32 $0xFA00  }
0x170: {  	[tilespmem:s16], [sflag:$0x2] =	stream.indirect_vreg.gather [hbm4b:s1+s3], $0x80, v3, vm0, $0xb8;
	[tilespmem:$0x10200] =	vst v63  }
0x171: {  	_ =	swait.ge [sflag:s4], $0x8000  }
0x172: {  	[sflag:s4] =	ssyncset.done $0x0  }
0x173: {  	s12 =	simm.s32 $0x200;
	s7 =	rddreg [dreg:$0x6];
	[sflag:s4] =	ssyncadd.s32 $0xFFFF8000  }
0x174: {  	[hbm4b:s7+s3] =	stream.linear.scatter [tilespmem:s12], [sflag:$0x3], $0x8000, $0x38;
	[tilespmem:$0x10200] =	vst v63  }
0x175: {  	_ =	swait.ge [sflag:s6], $0x8000  }
0x176: {  	[sflag:s6] =	ssyncset.done $0x0  }
0x177: {  	[sflag:s6] =	ssyncadd.s32 $0xFFFF8000  }
0x178: {  	_ =	swait.ge [sflag:s15], $0x8000  }
0x179: {  	p0 =	sne.s32 s5, $0x1;
	[sflag:s15] =	ssyncset.done $0x0  }
.Ltmp0:
0x17a: {  	s12 =	rddreg [dreg:$0x7];
	[sflag:s15] =	ssyncadd.s32 $0xFFFF8000;
	(pc) =	sbr.rel @p0 .LBB2_1-.Ltmp0, $4  }
0x17b: {  	[hbm4b:s12+s3] =	stream.linear.scatter [tilespmem:s0], [sflag:$0x3], $0x8000, $0x38;
	[tilespmem:$0x10200] =	vst v63  }
0x17c: {  	_ =	swait.ge [sflag:s6], $0x8000  }
0x17d: {  	[sflag:s6] =	ssyncset.done $0x0  }
0x17e: {  	s5 =	sadd.s32 $0xFFFFFFFF, s5;
	[sflag:s6] =	ssyncadd.s32 $0xFFFF8000  }
0x17f: {  	_ =	sfence.sel $0x180000  }
0x180: {  	[bflag:$0x0] =	sbarrier.arrive $0xFFFF  }
0x181: {  	_ =	strace $0x90000047  }
0x182: {  	s0 =	stileid.u32;
	[bflag:$0x2] =	sbarrier.arrive $0xFFFF  }
0x183: {  	p0 =	sne.s32 s0, $0x0;
	s0 =	rddreg [dreg:$0x3]  }
0x184: {  	s0 =	sadd.s32 @!p0 $0x100000, s0  }
0x185: {  	[sflag:s0] =	ssyncadd.tile.s32 @!p0 $0x1;
	_ =	shalt  }
.Lfunc_end2:
_tile_overlayer_lowered:
.L_overlay_start_2:
0x186: {  	(tag) =	ssettag $0x2  }
0x187: {  	s0 =	rddreg [dreg:$0x0];
	s2 =	stileid.u32  }
0x188: {  	s1 =	rddreg [dreg:$0x1];
	p0 =	sne.s32 s2, $0x0  }
0x189: {  	s3 =	rddreg [dreg:$0x2];
	[bflag:$0x3] =	sbarrier.arrive $0xFFFF;
	s2 =	simm.s32 @!p0 $0x1C03  }
0x18a: {  	[timem:s3], [sflag:s2] =	dma.local @!p0 [hbm:s0], s1  }
0x18b: {  	s0 =	simm.s32 @!p0 $0x3  }
0x18c: {  	_ =	swait.ge @!p0 [sflag:s0], s1  }
0x18d: {  	s1 =	ssub.s32 @!p0 $0x0, s1;
	[sflag:s0] =	ssyncset.done @!p0 $0x0  }
0x18e: {  	[sflag:s0] =	ssyncadd.s32 @!p0 s1  }
0x18f: {  	[bflag:$0x3] =	sbarrier.arrive $0xFFFF  }
0x190: {  	_ =	shalt  }

</sc_bundles>
